<compile_context>
chip_gen: v7x
topology: tpu7x:2x2x1
jax: 0.10.2.dev20260603
libtpu: 0.0.44.dev20260713+nightly
codegen_flags: <defaults>
</compile_context>

<pallas_src>
import dataclasses
import functools

import jax
import jax.numpy as jnp
from jax import lax
from jax.experimental import pallas as pl
from jax.experimental.pallas import tpu as pltpu
from jax.experimental.pallas import tpu_sc as plsc

_NC = 2
_NS = 16
_NW = _NC * _NS


def _embed_sc(idx, beT, goT, bpT, trT):
    B = idx.shape[0]
    d_be, n = beT.shape
    d_go, d_bp, d_tr = goT.shape[0], bpT.shape[0], trT.shape[0]
    rows_total = d_be + d_go + d_bp + d_tr
    slots = (rows_total + _NW - 1) // _NW
    e_go = d_be + d_go
    e_bp = e_go + d_bp
    mesh = plsc.VectorSubcoreMesh(core_axis_name="c", subcore_axis_name="s")
    cp = pltpu.CompilerParams()
    if "needs_layout_passes" in pltpu.CompilerParams.__dataclass_fields__:
        cp = dataclasses.replace(cp, needs_layout_passes=False)
    if "use_tc_tiling_on_sc" in pltpu.CompilerParams.__dataclass_fields__:
        cp = dataclasses.replace(cp, use_tc_tiling_on_sc=True)

    @functools.partial(
        pl.kernel,
        mesh=mesh,
        compiler_params=cp,
        out_type=(
            jax.ShapeDtypeStruct((d_be, B), beT.dtype),
            jax.ShapeDtypeStruct((d_go, B), goT.dtype),
            jax.ShapeDtypeStruct((d_bp, B), bpT.dtype),
            jax.ShapeDtypeStruct((d_tr, B), trT.dtype),
        ),
        scratch_types=[
            pltpu.VMEM((B,), jnp.int32),
            pltpu.VMEM((1, n), beT.dtype),
            pltpu.VMEM((1, 128), beT.dtype),
            pltpu.VMEM((B,), beT.dtype),
        ],
    )
    def k(beT_h, goT_h, bpT_h, trT_h, idx_h,
          obe_h, ogo_h, obp_h, otr_h,
          idx_v, row_v, bcol_v, orow_v):
        wid = lax.axis_index("s") * _NC + lax.axis_index("c")
        pltpu.sync_copy(idx_h, idx_v)
        zeros16 = lax.iota(jnp.int32, 16) * 0

        def gather_row(tbl_h, out_h, c):
            pltpu.sync_copy(tbl_h.at[pl.ds(c, 1)], row_v)

            @pl.loop(0, B, step=16)
            def _(o0):
                v = idx_v[pl.ds(o0, 16)]
                orow_v[pl.ds(o0, 16)] = plsc.load_gather(row_v, [zeros16, v])

            pltpu.sync_copy(orow_v, out_h.at[c])

        def bcast_row(c):
            pltpu.sync_copy(beT_h.at[pl.ds(c, 1), pl.ds(0, 128)], bcol_v)
            zv = lax.min(idx_v[pl.ds(0, 16)], 0)
            w = plsc.load_gather(bcol_v, [zv, zv])

            @pl.loop(0, B, step=16)
            def _(o0):
                orow_v[pl.ds(o0, 16)] = w

            pltpu.sync_copy(orow_v, obe_h.at[c])

        for s in range(slots):
            m = wid + _NW * s

            @pl.when(m < d_be)
            def _():
                bcast_row(m)

            @pl.when(jnp.logical_and(m >= d_be, m < e_go))
            def _():
                gather_row(goT_h, ogo_h, m - d_be)

            @pl.when(jnp.logical_and(m >= e_go, m < e_bp))
            def _():
                gather_row(bpT_h, obp_h, m - e_go)

            @pl.when(jnp.logical_and(m >= e_bp, m < rows_total))
            def _():
                gather_row(trT_h, otr_h, m - e_bp)

    return k(beT, goT, bpT, trT, idx)


def kernel(idx, betas, global_orient, body_pose, transl):
    idx = idx.astype(jnp.int32)
    obeT, ogoT, obpT, otrT = _embed_sc(
        idx, betas.T, global_orient.T, body_pose.T, transl.T)
    return (obeT.T, ogoT.T, obpT.T, otrT.T)

# --- scband reference (transcript-rebuilt; emitter-appended) ---
"""Pipeline reference for scband-smplparam-embedding-35656818492073 (READ-ONLY COPY).

The authoritative reference and input builder live on the scoring server;
editing this copy changes nothing except your own understanding.
"""

import jax, jax.numpy as jnp
import numpy as np

N = 100000
B = 4096

def setup_inputs(seed: int = 0) -> dict:
    key = jax.random.key(seed)
    k_idx, k_b, k_go, k_bp, k_tr = jax.random.split(key, 5)
    idx = jax.random.randint(k_idx, (B,), 0, N, dtype=jnp.int64) if jax.config.jax_enable_x64 else jax.random.randint(k_idx, (B,), 0, N, dtype=jnp.int32)
    betas = jax.random.normal(k_b, (N, 10), dtype=jnp.float32)
    global_orient = jax.random.normal(k_go, (N, 3), dtype=jnp.float32)
    body_pose = jax.random.normal(k_bp, (N, 69), dtype=jnp.float32)
    transl = jax.random.normal(k_tr, (N, 3), dtype=jnp.float32)
    return {"idx": idx, "betas": betas, "global_orient": global_orient, "body_pose": body_pose, "transl": transl}

def reference(idx, betas, global_orient, body_pose, transl):
    # Faithful translation of SMPLParamEmbedding.forward:
    #   betas is looked up with zeros_like(idx) (shared shape params),
    #   the rest are per-frame embedding gathers.
    zero_idx = jnp.zeros_like(idx)
    out_betas = jnp.take(betas, zero_idx, axis=0)
    out_go = jnp.take(global_orient, idx, axis=0)
    out_bp = jnp.take(body_pose, idx, axis=0)
    out_tr = jnp.take(transl, idx, axis=0)
    return (out_betas, out_go, out_bp, out_tr)

if __name__ == "__main__":
    import jax
    _d = setup_inputs()
    print(jax.jit(kernel)(*tuple(_d.values())))

</pallas_src>

<mosaic_0001>
#map = affine_map<(d0, d1) -> (0, 0)>
#map1 = affine_map<(d0, d1) -> (0)>
module attributes {stable_mosaic.version = 14 : i64} {
  func.func @k(%arg0: i32, %arg1: i32, %arg2: memref<10x100000xf32, #tpu.memory_space<hbm>>, %arg3: memref<3x100000xf32, #tpu.memory_space<hbm>>, %arg4: memref<69x100000xf32, #tpu.memory_space<hbm>>, %arg5: memref<3x100000xf32, #tpu.memory_space<hbm>>, %arg6: memref<4096xi32, #tpu.memory_space<hbm>>, %arg7: memref<10x4096xf32, #tpu.memory_space<hbm>>, %arg8: memref<3x4096xf32, #tpu.memory_space<hbm>>, %arg9: memref<69x4096xf32, #tpu.memory_space<hbm>>, %arg10: memref<3x4096xf32, #tpu.memory_space<hbm>>, %arg11: memref<4096xi32, #tpu.memory_space<vmem>>, %arg12: memref<1x100000xf32, #tpu.memory_space<vmem>>, %arg13: memref<1x128xf32, #tpu.memory_space<vmem>>, %arg14: memref<4096xf32, #tpu.memory_space<vmem>>) attributes {dimension_semantics = [#tpu.dimension_semantics<core_parallel>, #tpu.dimension_semantics<subcore_parallel>], iteration_bounds = array<i64: 2, 16>, scalar_prefetch = 0 : i64, scratch_operands = 4 : i64, tpu.core_type = #tpu.core_type<sc_vector_subcore>, window_params = [{transform_indices = #map}, {transform_indices = #map}, {transform_indices = #map}, {transform_indices = #map}, {transform_indices = #map1}, {transform_indices = #map}, {transform_indices = #map}, {transform_indices = #map}, {transform_indices = #map}]} {
    %mul3A = arith.constant 2 : i32
    %mul3A_0 = arith.muli %arg1, %mul3A : i32
    %add3A = arith.addi %mul3A_0, %arg0 : i32
    "tpu.region"() ({
      %run_scoped3A = tpu.sem_alloc : memref<!tpu.dma_semaphore, #tpu.memory_space<semaphore_mem>>
      tpu.enqueue_dma source(%arg6 : memref<4096xi32, #tpu.memory_space<hbm>>) target(%arg11 : memref<4096xi32, #tpu.memory_space<vmem>>) target_semaphore(%run_scoped3A : memref<!tpu.dma_semaphore, #tpu.memory_space<semaphore_mem>>)
      tpu.wait_dma2 semaphore(%run_scoped3A : memref<!tpu.dma_semaphore, #tpu.memory_space<semaphore_mem>>) src(%arg6 : memref<4096xi32, #tpu.memory_space<hbm>>) dst(%arg11 : memref<4096xi32, #tpu.memory_space<vmem>>)
      tpu.yield
    }) : () -> ()
    %iota3A = tpu.iota {dimensions = array<i32: 0>} : vector<16xi32>
    %mul3A_1 = arith.constant 0 : i32
    %mul3A_2 = vector.broadcast %mul3A_1 : i32 to vector<16xi32>
    %mul3A_3 = arith.muli %iota3A, %mul3A_2 : vector<16xi32>
    %add3A_4 = arith.constant 0 : i32
    %add3A_5 = arith.addi %add3A, %add3A_4 : i32
    %lt3A = arith.constant 10 : i32
    %lt3A_6 = arith.cmpi slt, %add3A_5, %lt3A : i32
    %convert_element_type3A = arith.extui %lt3A_6 : i1 to i32
    %cond3A = arith.constant 0 : i32
    %cond3A_7 = arith.cmpi ne, %convert_element_type3A, %cond3A : i32
    scf.if %cond3A_7 {
      "tpu.region"() ({
        %run_scoped3A = tpu.sem_alloc : memref<!tpu.dma_semaphore, #tpu.memory_space<semaphore_mem>>
        %dma_start3A = arith.constant 0 : i32
        %dma_start3A_99 = tpu.memref_slice %arg2[%add3A_5, %dma_start3A] : memref<10x100000xf32, #tpu.memory_space<hbm>> -> memref<1x128xf32, #tpu.memory_space<hbm>>
        %dma_start3A_100 = arith.constant 0 : i32
        %dma_start3A_101 = tpu.memref_slice %arg2[%add3A_5, %dma_start3A_100] : memref<10x100000xf32, #tpu.memory_space<hbm>> -> memref<1x128xf32, #tpu.memory_space<hbm>>
        tpu.enqueue_dma source(%dma_start3A_101 : memref<1x128xf32, #tpu.memory_space<hbm>>) target(%arg13 : memref<1x128xf32, #tpu.memory_space<vmem>>) target_semaphore(%run_scoped3A : memref<!tpu.dma_semaphore, #tpu.memory_space<semaphore_mem>>)
        %dma_wait3A = arith.constant 0 : i32
        %dma_wait3A_102 = tpu.memref_slice %arg2[%add3A_5, %dma_wait3A] : memref<10x100000xf32, #tpu.memory_space<hbm>> -> memref<1x128xf32, #tpu.memory_space<hbm>>
        %dma_wait3A_103 = arith.constant 0 : i32
        %dma_wait3A_104 = tpu.memref_slice %arg2[%add3A_5, %dma_wait3A_103] : memref<10x100000xf32, #tpu.memory_space<hbm>> -> memref<1x128xf32, #tpu.memory_space<hbm>>
        tpu.wait_dma2 semaphore(%run_scoped3A : memref<!tpu.dma_semaphore, #tpu.memory_space<semaphore_mem>>) src(%dma_wait3A_104 : memref<1x128xf32, #tpu.memory_space<hbm>>) dst(%arg13 : memref<1x128xf32, #tpu.memory_space<vmem>>)
        tpu.yield
      }) : () -> ()
      %get3A = arith.constant 0 : index
      %get3A_92 = tpu.vector_load %arg11[%get3A] {strides = array<i32>} : memref<4096xi32, #tpu.memory_space<vmem>>, vector<16xi32>,
      %min3A = arith.constant 0 : i32
      %min3A_93 = vector.broadcast %min3A : i32 to vector<16xi32>
      %min3A_94 = arith.minsi %get3A_92, %min3A_93 : vector<16xi32>
      %gather3A = tpu.vector_load_idx %arg13[%min3A_94, %min3A_94] : memref<1x128xf32, #tpu.memory_space<vmem>>[vector<16xi32>, vector<16xi32>], vector<16xf32>,
      %scan3A = arith.constant 0 : i32
      %scan3A_95 = arith.constant 256 : i32
      %scan3A_96 = arith.addi %scan3A, %scan3A_95 : i32
      %scan3A_97 = arith.constant 1 : i32
      scf.for %scan3A_99 = %scan3A to %scan3A_96 step %scan3A_97  : i32 {
        %mul3A_100 = arith.constant 16 : i32
        %mul3A_101 = arith.muli %scan3A_99, %mul3A_100 : i32
        %add3A_102 = arith.constant 0 : i32
        %add3A_103 = arith.addi %add3A_102, %mul3A_101 : i32
        %swap3A = arith.index_cast %add3A_103 : i32 to index
        %swap3A_104 = tpu.vector_load %arg14[%swap3A] {strides = array<i32>} : memref<4096xf32, #tpu.memory_space<vmem>>, vector<16xf32>,
        tpu.vector_store %arg14[%swap3A], %gather3A {strides = array<i32>} : memref<4096xf32, #tpu.memory_space<vmem>>, vector<16xf32>,
      }
      %scan3A_98 = arith.constant 256 : i32
      "tpu.region"() ({
        %run_scoped3A = tpu.sem_alloc : memref<!tpu.dma_semaphore, #tpu.memory_space<semaphore_mem>>
        %dma_start3A = arith.constant 0 : i32
        %dma_start3A_99 = tpu.memref_slice %arg7[%add3A_5, %dma_start3A] : memref<10x4096xf32, #tpu.memory_space<hbm>> -> memref<1x4096xf32, #tpu.memory_space<hbm>>
        %dma_start3A_100 = tpu.memref_squeeze %dma_start3A_99 : memref<1x4096xf32, #tpu.memory_space<hbm>> -> memref<4096xf32, #tpu.memory_space<hbm>>
        %dma_start3A_101 = arith.constant 0 : i32
        %dma_start3A_102 = tpu.memref_slice %arg7[%add3A_5, %dma_start3A_101] : memref<10x4096xf32, #tpu.memory_space<hbm>> -> memref<1x4096xf32, #tpu.memory_space<hbm>>
        %dma_start3A_103 = tpu.memref_squeeze %dma_start3A_102 : memref<1x4096xf32, #tpu.memory_space<hbm>> -> memref<4096xf32, #tpu.memory_space<hbm>>
        tpu.enqueue_dma source(%arg14 : memref<4096xf32, #tpu.memory_space<vmem>>) target(%dma_start3A_103 : memref<4096xf32, #tpu.memory_space<hbm>>) target_semaphore(%run_scoped3A : memref<!tpu.dma_semaphore, #tpu.memory_space<semaphore_mem>>)
        %dma_wait3A = arith.constant 0 : i32
        %dma_wait3A_104 = tpu.memref_slice %arg7[%add3A_5, %dma_wait3A] : memref<10x4096xf32, #tpu.memory_space<hbm>> -> memref<1x4096xf32, #tpu.memory_space<hbm>>
        %dma_wait3A_105 = tpu.memref_squeeze %dma_wait3A_104 : memref<1x4096xf32, #tpu.memory_space<hbm>> -> memref<4096xf32, #tpu.memory_space<hbm>>
        %dma_wait3A_106 = arith.constant 0 : i32
        %dma_wait3A_107 = tpu.memref_slice %arg7[%add3A_5, %dma_wait3A_106] : memref<10x4096xf32, #tpu.memory_space<hbm>> -> memref<1x4096xf32, #tpu.memory_space<hbm>>
        %dma_wait3A_108 = tpu.memref_squeeze %dma_wait3A_107 : memref<1x4096xf32, #tpu.memory_space<hbm>> -> memref<4096xf32, #tpu.memory_space<hbm>>
        tpu.wait_dma2 semaphore(%run_scoped3A : memref<!tpu.dma_semaphore, #tpu.memory_space<semaphore_mem>>) src(%arg14 : memref<4096xf32, #tpu.memory_space<vmem>>) dst(%dma_wait3A_108 : memref<4096xf32, #tpu.memory_space<hbm>>)
        tpu.yield
      }) : () -> ()
    } else {
    }
    %ge3A = arith.constant 10 : i32
    %ge3A_8 = arith.cmpi sge, %add3A_5, %ge3A : i32
    %lt3A_9 = arith.constant 13 : i32
    %lt3A_10 = arith.cmpi slt, %add3A_5, %lt3A_9 : i32
    %and3A = arith.andi %ge3A_8, %lt3A_10 : i1
    %convert_element_type3A_11 = arith.extui %and3A : i1 to i32
    %cond3A_12 = arith.constant 0 : i32
    %cond3A_13 = arith.cmpi ne, %convert_element_type3A_11, %cond3A_12 : i32
    scf.if %cond3A_13 {
      %sub3A = arith.constant 10 : i32
      %sub3A_92 = arith.subi %add3A_5, %sub3A : i32
      "tpu.region"() ({
        %run_scoped3A = tpu.sem_alloc : memref<!tpu.dma_semaphore, #tpu.memory_space<semaphore_mem>>
        %dma_start3A = arith.constant 0 : i32
        %dma_start3A_97 = tpu.memref_slice %arg3[%sub3A_92, %dma_start3A] : memref<3x100000xf32, #tpu.memory_space<hbm>> -> memref<1x100000xf32, #tpu.memory_space<hbm>>
        %dma_start3A_98 = arith.constant 0 : i32
        %dma_start3A_99 = tpu.memref_slice %arg3[%sub3A_92, %dma_start3A_98] : memref<3x100000xf32, #tpu.memory_space<hbm>> -> memref<1x100000xf32, #tpu.memory_space<hbm>>
        tpu.enqueue_dma source(%dma_start3A_99 : memref<1x100000xf32, #tpu.memory_space<hbm>>) target(%arg12 : memref<1x100000xf32, #tpu.memory_space<vmem>>) target_semaphore(%run_scoped3A : memref<!tpu.dma_semaphore, #tpu.memory_space<semaphore_mem>>)
        %dma_wait3A = arith.constant 0 : i32
        %dma_wait3A_100 = tpu.memref_slice %arg3[%sub3A_92, %dma_wait3A] : memref<3x100000xf32, #tpu.memory_space<hbm>> -> memref<1x100000xf32, #tpu.memory_space<hbm>>
        %dma_wait3A_101 = arith.constant 0 : i32
        %dma_wait3A_102 = tpu.memref_slice %arg3[%sub3A_92, %dma_wait3A_101] : memref<3x100000xf32, #tpu.memory_space<hbm>> -> memref<1x100000xf32, #tpu.memory_space<hbm>>
        tpu.wait_dma2 semaphore(%run_scoped3A : memref<!tpu.dma_semaphore, #tpu.memory_space<semaphore_mem>>) src(%dma_wait3A_102 : memref<1x100000xf32, #tpu.memory_space<hbm>>) dst(%arg12 : memref<1x100000xf32, #tpu.memory_space<vmem>>)
        tpu.yield
      }) : () -> ()
      %scan3A = arith.constant 0 : i32
      %scan3A_93 = arith.constant 256 : i32
      %scan3A_94 = arith.addi %scan3A, %scan3A_93 : i32
      %scan3A_95 = arith.constant 1 : i32
      scf.for %scan3A_97 = %scan3A to %scan3A_94 step %scan3A_95  : i32 {
        %mul3A_98 = arith.constant 16 : i32
        %mul3A_99 = arith.muli %scan3A_97, %mul3A_98 : i32
        %add3A_100 = arith.constant 0 : i32
        %add3A_101 = arith.addi %add3A_100, %mul3A_99 : i32
        %get3A = arith.index_cast %add3A_101 : i32 to index
        %get3A_102 = tpu.vector_load %arg11[%get3A] {strides = array<i32>} : memref<4096xi32, #tpu.memory_space<vmem>>, vector<16xi32>,
        %gather3A = tpu.vector_load_idx %arg12[%mul3A_3, %get3A_102] : memref<1x100000xf32, #tpu.memory_space<vmem>>[vector<16xi32>, vector<16xi32>], vector<16xf32>,
        %swap3A = arith.index_cast %add3A_101 : i32 to index
        %swap3A_103 = tpu.vector_load %arg14[%swap3A] {strides = array<i32>} : memref<4096xf32, #tpu.memory_space<vmem>>, vector<16xf32>,
        tpu.vector_store %arg14[%swap3A], %gather3A {strides = array<i32>} : memref<4096xf32, #tpu.memory_space<vmem>>, vector<16xf32>,
      }
      %scan3A_96 = arith.constant 256 : i32
      "tpu.region"() ({
        %run_scoped3A = tpu.sem_alloc : memref<!tpu.dma_semaphore, #tpu.memory_space<semaphore_mem>>
        %dma_start3A = arith.constant 0 : i32
        %dma_start3A_97 = tpu.memref_slice %arg8[%sub3A_92, %dma_start3A] : memref<3x4096xf32, #tpu.memory_space<hbm>> -> memref<1x4096xf32, #tpu.memory_space<hbm>>
        %dma_start3A_98 = tpu.memref_squeeze %dma_start3A_97 : memref<1x4096xf32, #tpu.memory_space<hbm>> -> memref<4096xf32, #tpu.memory_space<hbm>>
        %dma_start3A_99 = arith.constant 0 : i32
        %dma_start3A_100 = tpu.memref_slice %arg8[%sub3A_92, %dma_start3A_99] : memref<3x4096xf32, #tpu.memory_space<hbm>> -> memref<1x4096xf32, #tpu.memory_space<hbm>>
        %dma_start3A_101 = tpu.memref_squeeze %dma_start3A_100 : memref<1x4096xf32, #tpu.memory_space<hbm>> -> memref<4096xf32, #tpu.memory_space<hbm>>
        tpu.enqueue_dma source(%arg14 : memref<4096xf32, #tpu.memory_space<vmem>>) target(%dma_start3A_101 : memref<4096xf32, #tpu.memory_space<hbm>>) target_semaphore(%run_scoped3A : memref<!tpu.dma_semaphore, #tpu.memory_space<semaphore_mem>>)
        %dma_wait3A = arith.constant 0 : i32
        %dma_wait3A_102 = tpu.memref_slice %arg8[%sub3A_92, %dma_wait3A] : memref<3x4096xf32, #tpu.memory_space<hbm>> -> memref<1x4096xf32, #tpu.memory_space<hbm>>
        %dma_wait3A_103 = tpu.memref_squeeze %dma_wait3A_102 : memref<1x4096xf32, #tpu.memory_space<hbm>> -> memref<4096xf32, #tpu.memory_space<hbm>>
        %dma_wait3A_104 = arith.constant 0 : i32
        %dma_wait3A_105 = tpu.memref_slice %arg8[%sub3A_92, %dma_wait3A_104] : memref<3x4096xf32, #tpu.memory_space<hbm>> -> memref<1x4096xf32, #tpu.memory_space<hbm>>
        %dma_wait3A_106 = tpu.memref_squeeze %dma_wait3A_105 : memref<1x4096xf32, #tpu.memory_space<hbm>> -> memref<4096xf32, #tpu.memory_space<hbm>>
        tpu.wait_dma2 semaphore(%run_scoped3A : memref<!tpu.dma_semaphore, #tpu.memory_space<semaphore_mem>>) src(%arg14 : memref<4096xf32, #tpu.memory_space<vmem>>) dst(%dma_wait3A_106 : memref<4096xf32, #tpu.memory_space<hbm>>)
        tpu.yield
      }) : () -> ()
    } else {
    }
    %ge3A_14 = arith.constant 13 : i32
    %ge3A_15 = arith.cmpi sge, %add3A_5, %ge3A_14 : i32
    %lt3A_16 = arith.constant 82 : i32
    %lt3A_17 = arith.cmpi slt, %add3A_5, %lt3A_16 : i32
    %and3A_18 = arith.andi %ge3A_15, %lt3A_17 : i1
    %convert_element_type3A_19 = arith.extui %and3A_18 : i1 to i32
    %cond3A_20 = arith.constant 0 : i32
    %cond3A_21 = arith.cmpi ne, %convert_element_type3A_19, %cond3A_20 : i32
    scf.if %cond3A_21 {
      %sub3A = arith.constant 13 : i32
      %sub3A_92 = arith.subi %add3A_5, %sub3A : i32
      "tpu.region"() ({
        %run_scoped3A = tpu.sem_alloc : memref<!tpu.dma_semaphore, #tpu.memory_space<semaphore_mem>>
        %dma_start3A = arith.constant 0 : i32
        %dma_start3A_97 = tpu.memref_slice %arg4[%sub3A_92, %dma_start3A] : memref<69x100000xf32, #tpu.memory_space<hbm>> -> memref<1x100000xf32, #tpu.memory_space<hbm>>
        %dma_start3A_98 = arith.constant 0 : i32
        %dma_start3A_99 = tpu.memref_slice %arg4[%sub3A_92, %dma_start3A_98] : memref<69x100000xf32, #tpu.memory_space<hbm>> -> memref<1x100000xf32, #tpu.memory_space<hbm>>
        tpu.enqueue_dma source(%dma_start3A_99 : memref<1x100000xf32, #tpu.memory_space<hbm>>) target(%arg12 : memref<1x100000xf32, #tpu.memory_space<vmem>>) target_semaphore(%run_scoped3A : memref<!tpu.dma_semaphore, #tpu.memory_space<semaphore_mem>>)
        %dma_wait3A = arith.constant 0 : i32
        %dma_wait3A_100 = tpu.memref_slice %arg4[%sub3A_92, %dma_wait3A] : memref<69x100000xf32, #tpu.memory_space<hbm>> -> memref<1x100000xf32, #tpu.memory_space<hbm>>
        %dma_wait3A_101 = arith.constant 0 : i32
        %dma_wait3A_102 = tpu.memref_slice %arg4[%sub3A_92, %dma_wait3A_101] : memref<69x100000xf32, #tpu.memory_space<hbm>> -> memref<1x100000xf32, #tpu.memory_space<hbm>>
        tpu.wait_dma2 semaphore(%run_scoped3A : memref<!tpu.dma_semaphore, #tpu.memory_space<semaphore_mem>>) src(%dma_wait3A_102 : memref<1x100000xf32, #tpu.memory_space<hbm>>) dst(%arg12 : memref<1x100000xf32, #tpu.memory_space<vmem>>)
        tpu.yield
      }) : () -> ()
      %scan3A = arith.constant 0 : i32
      %scan3A_93 = arith.constant 256 : i32
      %scan3A_94 = arith.addi %scan3A, %scan3A_93 : i32
      %scan3A_95 = arith.constant 1 : i32
      scf.for %scan3A_97 = %scan3A to %scan3A_94 step %scan3A_95  : i32 {
        %mul3A_98 = arith.constant 16 : i32
        %mul3A_99 = arith.muli %scan3A_97, %mul3A_98 : i32
        %add3A_100 = arith.constant 0 : i32
        %add3A_101 = arith.addi %add3A_100, %mul3A_99 : i32
        %get3A = arith.index_cast %add3A_101 : i32 to index
        %get3A_102 = tpu.vector_load %arg11[%get3A] {strides = array<i32>} : memref<4096xi32, #tpu.memory_space<vmem>>, vector<16xi32>,
        %gather3A = tpu.vector_load_idx %arg12[%mul3A_3, %get3A_102] : memref<1x100000xf32, #tpu.memory_space<vmem>>[vector<16xi32>, vector<16xi32>], vector<16xf32>,
        %swap3A = arith.index_cast %add3A_101 : i32 to index
        %swap3A_103 = tpu.vector_load %arg14[%swap3A] {strides = array<i32>} : memref<4096xf32, #tpu.memory_space<vmem>>, vector<16xf32>,
        tpu.vector_store %arg14[%swap3A], %gather3A {strides = array<i32>} : memref<4096xf32, #tpu.memory_space<vmem>>, vector<16xf32>,
      }
      %scan3A_96 = arith.constant 256 : i32
      "tpu.region"() ({
        %run_scoped3A = tpu.sem_alloc : memref<!tpu.dma_semaphore, #tpu.memory_space<semaphore_mem>>
        %dma_start3A = arith.constant 0 : i32
        %dma_start3A_97 = tpu.memref_slice %arg9[%sub3A_92, %dma_start3A] : memref<69x4096xf32, #tpu.memory_space<hbm>> -> memref<1x4096xf32, #tpu.memory_space<hbm>>
        %dma_start3A_98 = tpu.memref_squeeze %dma_start3A_97 : memref<1x4096xf32, #tpu.memory_space<hbm>> -> memref<4096xf32, #tpu.memory_space<hbm>>
        %dma_start3A_99 = arith.constant 0 : i32
        %dma_start3A_100 = tpu.memref_slice %arg9[%sub3A_92, %dma_start3A_99] : memref<69x4096xf32, #tpu.memory_space<hbm>> -> memref<1x4096xf32, #tpu.memory_space<hbm>>
        %dma_start3A_101 = tpu.memref_squeeze %dma_start3A_100 : memref<1x4096xf32, #tpu.memory_space<hbm>> -> memref<4096xf32, #tpu.memory_space<hbm>>
        tpu.enqueue_dma source(%arg14 : memref<4096xf32, #tpu.memory_space<vmem>>) target(%dma_start3A_101 : memref<4096xf32, #tpu.memory_space<hbm>>) target_semaphore(%run_scoped3A : memref<!tpu.dma_semaphore, #tpu.memory_space<semaphore_mem>>)
        %dma_wait3A = arith.constant 0 : i32
        %dma_wait3A_102 = tpu.memref_slice %arg9[%sub3A_92, %dma_wait3A] : memref<69x4096xf32, #tpu.memory_space<hbm>> -> memref<1x4096xf32, #tpu.memory_space<hbm>>
        %dma_wait3A_103 = tpu.memref_squeeze %dma_wait3A_102 : memref<1x4096xf32, #tpu.memory_space<hbm>> -> memref<4096xf32, #tpu.memory_space<hbm>>
        %dma_wait3A_104 = arith.constant 0 : i32
        %dma_wait3A_105 = tpu.memref_slice %arg9[%sub3A_92, %dma_wait3A_104] : memref<69x4096xf32, #tpu.memory_space<hbm>> -> memref<1x4096xf32, #tpu.memory_space<hbm>>
        %dma_wait3A_106 = tpu.memref_squeeze %dma_wait3A_105 : memref<1x4096xf32, #tpu.memory_space<hbm>> -> memref<4096xf32, #tpu.memory_space<hbm>>
        tpu.wait_dma2 semaphore(%run_scoped3A : memref<!tpu.dma_semaphore, #tpu.memory_space<semaphore_mem>>) src(%arg14 : memref<4096xf32, #tpu.memory_space<vmem>>) dst(%dma_wait3A_106 : memref<4096xf32, #tpu.memory_space<hbm>>)
        tpu.yield
      }) : () -> ()
    } else {
    }
    %ge3A_22 = arith.constant 82 : i32
    %ge3A_23 = arith.cmpi sge, %add3A_5, %ge3A_22 : i32
    %lt3A_24 = arith.constant 85 : i32
    %lt3A_25 = arith.cmpi slt, %add3A_5, %lt3A_24 : i32
    %and3A_26 = arith.andi %ge3A_23, %lt3A_25 : i1
    %convert_element_type3A_27 = arith.extui %and3A_26 : i1 to i32
    %cond3A_28 = arith.constant 0 : i32
    %cond3A_29 = arith.cmpi ne, %convert_element_type3A_27, %cond3A_28 : i32
    scf.if %cond3A_29 {
      %sub3A = arith.constant 82 : i32
      %sub3A_92 = arith.subi %add3A_5, %sub3A : i32
      "tpu.region"() ({
        %run_scoped3A = tpu.sem_alloc : memref<!tpu.dma_semaphore, #tpu.memory_space<semaphore_mem>>
        %dma_start3A = arith.constant 0 : i32
        %dma_start3A_97 = tpu.memref_slice %arg5[%sub3A_92, %dma_start3A] : memref<3x100000xf32, #tpu.memory_space<hbm>> -> memref<1x100000xf32, #tpu.memory_space<hbm>>
        %dma_start3A_98 = arith.constant 0 : i32
        %dma_start3A_99 = tpu.memref_slice %arg5[%sub3A_92, %dma_start3A_98] : memref<3x100000xf32, #tpu.memory_space<hbm>> -> memref<1x100000xf32, #tpu.memory_space<hbm>>
        tpu.enqueue_dma source(%dma_start3A_99 : memref<1x100000xf32, #tpu.memory_space<hbm>>) target(%arg12 : memref<1x100000xf32, #tpu.memory_space<vmem>>) target_semaphore(%run_scoped3A : memref<!tpu.dma_semaphore, #tpu.memory_space<semaphore_mem>>)
        %dma_wait3A = arith.constant 0 : i32
        %dma_wait3A_100 = tpu.memref_slice %arg5[%sub3A_92, %dma_wait3A] : memref<3x100000xf32, #tpu.memory_space<hbm>> -> memref<1x100000xf32, #tpu.memory_space<hbm>>
        %dma_wait3A_101 = arith.constant 0 : i32
        %dma_wait3A_102 = tpu.memref_slice %arg5[%sub3A_92, %dma_wait3A_101] : memref<3x100000xf32, #tpu.memory_space<hbm>> -> memref<1x100000xf32, #tpu.memory_space<hbm>>
        tpu.wait_dma2 semaphore(%run_scoped3A : memref<!tpu.dma_semaphore, #tpu.memory_space<semaphore_mem>>) src(%dma_wait3A_102 : memref<1x100000xf32, #tpu.memory_space<hbm>>) dst(%arg12 : memref<1x100000xf32, #tpu.memory_space<vmem>>)
        tpu.yield
      }) : () -> ()
      %scan3A = arith.constant 0 : i32
      %scan3A_93 = arith.constant 256 : i32
      %scan3A_94 = arith.addi %scan3A, %scan3A_93 : i32
      %scan3A_95 = arith.constant 1 : i32
      scf.for %scan3A_97 = %scan3A to %scan3A_94 step %scan3A_95  : i32 {
        %mul3A_98 = arith.constant 16 : i32
        %mul3A_99 = arith.muli %scan3A_97, %mul3A_98 : i32
        %add3A_100 = arith.constant 0 : i32
        %add3A_101 = arith.addi %add3A_100, %mul3A_99 : i32
        %get3A = arith.index_cast %add3A_101 : i32 to index
        %get3A_102 = tpu.vector_load %arg11[%get3A] {strides = array<i32>} : memref<4096xi32, #tpu.memory_space<vmem>>, vector<16xi32>,
        %gather3A = tpu.vector_load_idx %arg12[%mul3A_3, %get3A_102] : memref<1x100000xf32, #tpu.memory_space<vmem>>[vector<16xi32>, vector<16xi32>], vector<16xf32>,
        %swap3A = arith.index_cast %add3A_101 : i32 to index
        %swap3A_103 = tpu.vector_load %arg14[%swap3A] {strides = array<i32>} : memref<4096xf32, #tpu.memory_space<vmem>>, vector<16xf32>,
        tpu.vector_store %arg14[%swap3A], %gather3A {strides = array<i32>} : memref<4096xf32, #tpu.memory_space<vmem>>, vector<16xf32>,
      }
      %scan3A_96 = arith.constant 256 : i32
      "tpu.region"() ({
        %run_scoped3A = tpu.sem_alloc : memref<!tpu.dma_semaphore, #tpu.memory_space<semaphore_mem>>
        %dma_start3A = arith.constant 0 : i32
        %dma_start3A_97 = tpu.memref_slice %arg10[%sub3A_92, %dma_start3A] : memref<3x4096xf32, #tpu.memory_space<hbm>> -> memref<1x4096xf32, #tpu.memory_space<hbm>>
        %dma_start3A_98 = tpu.memref_squeeze %dma_start3A_97 : memref<1x4096xf32, #tpu.memory_space<hbm>> -> memref<4096xf32, #tpu.memory_space<hbm>>
        %dma_start3A_99 = arith.constant 0 : i32
        %dma_start3A_100 = tpu.memref_slice %arg10[%sub3A_92, %dma_start3A_99] : memref<3x4096xf32, #tpu.memory_space<hbm>> -> memref<1x4096xf32, #tpu.memory_space<hbm>>
        %dma_start3A_101 = tpu.memref_squeeze %dma_start3A_100 : memref<1x4096xf32, #tpu.memory_space<hbm>> -> memref<4096xf32, #tpu.memory_space<hbm>>
        tpu.enqueue_dma source(%arg14 : memref<4096xf32, #tpu.memory_space<vmem>>) target(%dma_start3A_101 : memref<4096xf32, #tpu.memory_space<hbm>>) target_semaphore(%run_scoped3A : memref<!tpu.dma_semaphore, #tpu.memory_space<semaphore_mem>>)
        %dma_wait3A = arith.constant 0 : i32
        %dma_wait3A_102 = tpu.memref_slice %arg10[%sub3A_92, %dma_wait3A] : memref<3x4096xf32, #tpu.memory_space<hbm>> -> memref<1x4096xf32, #tpu.memory_space<hbm>>
        %dma_wait3A_103 = tpu.memref_squeeze %dma_wait3A_102 : memref<1x4096xf32, #tpu.memory_space<hbm>> -> memref<4096xf32, #tpu.memory_space<hbm>>
        %dma_wait3A_104 = arith.constant 0 : i32
        %dma_wait3A_105 = tpu.memref_slice %arg10[%sub3A_92, %dma_wait3A_104] : memref<3x4096xf32, #tpu.memory_space<hbm>> -> memref<1x4096xf32, #tpu.memory_space<hbm>>
        %dma_wait3A_106 = tpu.memref_squeeze %dma_wait3A_105 : memref<1x4096xf32, #tpu.memory_space<hbm>> -> memref<4096xf32, #tpu.memory_space<hbm>>
        tpu.wait_dma2 semaphore(%run_scoped3A : memref<!tpu.dma_semaphore, #tpu.memory_space<semaphore_mem>>) src(%arg14 : memref<4096xf32, #tpu.memory_space<vmem>>) dst(%dma_wait3A_106 : memref<4096xf32, #tpu.memory_space<hbm>>)
        tpu.yield
      }) : () -> ()
    } else {
    }
    %add3A_30 = arith.constant 32 : i32
    %add3A_31 = arith.addi %add3A, %add3A_30 : i32
    %lt3A_32 = arith.constant 10 : i32
    %lt3A_33 = arith.cmpi slt, %add3A_31, %lt3A_32 : i32
    %convert_element_type3A_34 = arith.extui %lt3A_33 : i1 to i32
    %cond3A_35 = arith.constant 0 : i32
    %cond3A_36 = arith.cmpi ne, %convert_element_type3A_34, %cond3A_35 : i32
    scf.if %cond3A_36 {
      "tpu.region"() ({
        %run_scoped3A = tpu.sem_alloc : memref<!tpu.dma_semaphore, #tpu.memory_space<semaphore_mem>>
        %dma_start3A = arith.constant 0 : i32
        %dma_start3A_99 = tpu.memref_slice %arg2[%add3A_31, %dma_start3A] : memref<10x100000xf32, #tpu.memory_space<hbm>> -> memref<1x128xf32, #tpu.memory_space<hbm>>
        %dma_start3A_100 = arith.constant 0 : i32
        %dma_start3A_101 = tpu.memref_slice %arg2[%add3A_31, %dma_start3A_100] : memref<10x100000xf32, #tpu.memory_space<hbm>> -> memref<1x128xf32, #tpu.memory_space<hbm>>
        tpu.enqueue_dma source(%dma_start3A_101 : memref<1x128xf32, #tpu.memory_space<hbm>>) target(%arg13 : memref<1x128xf32, #tpu.memory_space<vmem>>) target_semaphore(%run_scoped3A : memref<!tpu.dma_semaphore, #tpu.memory_space<semaphore_mem>>)
        %dma_wait3A = arith.constant 0 : i32
        %dma_wait3A_102 = tpu.memref_slice %arg2[%add3A_31, %dma_wait3A] : memref<10x100000xf32, #tpu.memory_space<hbm>> -> memref<1x128xf32, #tpu.memory_space<hbm>>
        %dma_wait3A_103 = arith.constant 0 : i32
        %dma_wait3A_104 = tpu.memref_slice %arg2[%add3A_31, %dma_wait3A_103] : memref<10x100000xf32, #tpu.memory_space<hbm>> -> memref<1x128xf32, #tpu.memory_space<hbm>>
        tpu.wait_dma2 semaphore(%run_scoped3A : memref<!tpu.dma_semaphore, #tpu.memory_space<semaphore_mem>>) src(%dma_wait3A_104 : memref<1x128xf32, #tpu.memory_space<hbm>>) dst(%arg13 : memref<1x128xf32, #tpu.memory_space<vmem>>)
        tpu.yield
      }) : () -> ()
      %get3A = arith.constant 0 : index
      %get3A_92 = tpu.vector_load %arg11[%get3A] {strides = array<i32>} : memref<4096xi32, #tpu.memory_space<vmem>>, vector<16xi32>,
      %min3A = arith.constant 0 : i32
      %min3A_93 = vector.broadcast %min3A : i32 to vector<16xi32>
      %min3A_94 = arith.minsi %get3A_92, %min3A_93 : vector<16xi32>
      %gather3A = tpu.vector_load_idx %arg13[%min3A_94, %min3A_94] : memref<1x128xf32, #tpu.memory_space<vmem>>[vector<16xi32>, vector<16xi32>], vector<16xf32>,
      %scan3A = arith.constant 0 : i32
      %scan3A_95 = arith.constant 256 : i32
      %scan3A_96 = arith.addi %scan3A, %scan3A_95 : i32
      %scan3A_97 = arith.constant 1 : i32
      scf.for %scan3A_99 = %scan3A to %scan3A_96 step %scan3A_97  : i32 {
        %mul3A_100 = arith.constant 16 : i32
        %mul3A_101 = arith.muli %scan3A_99, %mul3A_100 : i32
        %add3A_102 = arith.constant 0 : i32
        %add3A_103 = arith.addi %add3A_102, %mul3A_101 : i32
        %swap3A = arith.index_cast %add3A_103 : i32 to index
        %swap3A_104 = tpu.vector_load %arg14[%swap3A] {strides = array<i32>} : memref<4096xf32, #tpu.memory_space<vmem>>, vector<16xf32>,
        tpu.vector_store %arg14[%swap3A], %gather3A {strides = array<i32>} : memref<4096xf32, #tpu.memory_space<vmem>>, vector<16xf32>,
      }
      %scan3A_98 = arith.constant 256 : i32
      "tpu.region"() ({
        %run_scoped3A = tpu.sem_alloc : memref<!tpu.dma_semaphore, #tpu.memory_space<semaphore_mem>>
        %dma_start3A = arith.constant 0 : i32
        %dma_start3A_99 = tpu.memref_slice %arg7[%add3A_31, %dma_start3A] : memref<10x4096xf32, #tpu.memory_space<hbm>> -> memref<1x4096xf32, #tpu.memory_space<hbm>>
        %dma_start3A_100 = tpu.memref_squeeze %dma_start3A_99 : memref<1x4096xf32, #tpu.memory_space<hbm>> -> memref<4096xf32, #tpu.memory_space<hbm>>
        %dma_start3A_101 = arith.constant 0 : i32
        %dma_start3A_102 = tpu.memref_slice %arg7[%add3A_31, %dma_start3A_101] : memref<10x4096xf32, #tpu.memory_space<hbm>> -> memref<1x4096xf32, #tpu.memory_space<hbm>>
        %dma_start3A_103 = tpu.memref_squeeze %dma_start3A_102 : memref<1x4096xf32, #tpu.memory_space<hbm>> -> memref<4096xf32, #tpu.memory_space<hbm>>
        tpu.enqueue_dma source(%arg14 : memref<4096xf32, #tpu.memory_space<vmem>>) target(%dma_start3A_103 : memref<4096xf32, #tpu.memory_space<hbm>>) target_semaphore(%run_scoped3A : memref<!tpu.dma_semaphore, #tpu.memory_space<semaphore_mem>>)
        %dma_wait3A = arith.constant 0 : i32
        %dma_wait3A_104 = tpu.memref_slice %arg7[%add3A_31, %dma_wait3A] : memref<10x4096xf32, #tpu.memory_space<hbm>> -> memref<1x4096xf32, #tpu.memory_space<hbm>>
        %dma_wait3A_105 = tpu.memref_squeeze %dma_wait3A_104 : memref<1x4096xf32, #tpu.memory_space<hbm>> -> memref<4096xf32, #tpu.memory_space<hbm>>
        %dma_wait3A_106 = arith.constant 0 : i32
        %dma_wait3A_107 = tpu.memref_slice %arg7[%add3A_31, %dma_wait3A_106] : memref<10x4096xf32, #tpu.memory_space<hbm>> -> memref<1x4096xf32, #tpu.memory_space<hbm>>
        %dma_wait3A_108 = tpu.memref_squeeze %dma_wait3A_107 : memref<1x4096xf32, #tpu.memory_space<hbm>> -> memref<4096xf32, #tpu.memory_space<hbm>>
        tpu.wait_dma2 semaphore(%run_scoped3A : memref<!tpu.dma_semaphore, #tpu.memory_space<semaphore_mem>>) src(%arg14 : memref<4096xf32, #tpu.memory_space<vmem>>) dst(%dma_wait3A_108 : memref<4096xf32, #tpu.memory_space<hbm>>)
        tpu.yield
      }) : () -> ()
    } else {
    }
    %ge3A_37 = arith.constant 10 : i32
    %ge3A_38 = arith.cmpi sge, %add3A_31, %ge3A_37 : i32
    %lt3A_39 = arith.constant 13 : i32
    %lt3A_40 = arith.cmpi slt, %add3A_31, %lt3A_39 : i32
    %and3A_41 = arith.andi %ge3A_38, %lt3A_40 : i1
    %convert_element_type3A_42 = arith.extui %and3A_41 : i1 to i32
    %cond3A_43 = arith.constant 0 : i32
    %cond3A_44 = arith.cmpi ne, %convert_element_type3A_42, %cond3A_43 : i32
    scf.if %cond3A_44 {
      %sub3A = arith.constant 10 : i32
      %sub3A_92 = arith.subi %add3A_31, %sub3A : i32
      "tpu.region"() ({
        %run_scoped3A = tpu.sem_alloc : memref<!tpu.dma_semaphore, #tpu.memory_space<semaphore_mem>>
        %dma_start3A = arith.constant 0 : i32
        %dma_start3A_97 = tpu.memref_slice %arg3[%sub3A_92, %dma_start3A] : memref<3x100000xf32, #tpu.memory_space<hbm>> -> memref<1x100000xf32, #tpu.memory_space<hbm>>
        %dma_start3A_98 = arith.constant 0 : i32
        %dma_start3A_99 = tpu.memref_slice %arg3[%sub3A_92, %dma_start3A_98] : memref<3x100000xf32, #tpu.memory_space<hbm>> -> memref<1x100000xf32, #tpu.memory_space<hbm>>
        tpu.enqueue_dma source(%dma_start3A_99 : memref<1x100000xf32, #tpu.memory_space<hbm>>) target(%arg12 : memref<1x100000xf32, #tpu.memory_space<vmem>>) target_semaphore(%run_scoped3A : memref<!tpu.dma_semaphore, #tpu.memory_space<semaphore_mem>>)
        %dma_wait3A = arith.constant 0 : i32
        %dma_wait3A_100 = tpu.memref_slice %arg3[%sub3A_92, %dma_wait3A] : memref<3x100000xf32, #tpu.memory_space<hbm>> -> memref<1x100000xf32, #tpu.memory_space<hbm>>
        %dma_wait3A_101 = arith.constant 0 : i32
        %dma_wait3A_102 = tpu.memref_slice %arg3[%sub3A_92, %dma_wait3A_101] : memref<3x100000xf32, #tpu.memory_space<hbm>> -> memref<1x100000xf32, #tpu.memory_space<hbm>>
        tpu.wait_dma2 semaphore(%run_scoped3A : memref<!tpu.dma_semaphore, #tpu.memory_space<semaphore_mem>>) src(%dma_wait3A_102 : memref<1x100000xf32, #tpu.memory_space<hbm>>) dst(%arg12 : memref<1x100000xf32, #tpu.memory_space<vmem>>)
        tpu.yield
      }) : () -> ()
      %scan3A = arith.constant 0 : i32
      %scan3A_93 = arith.constant 256 : i32
      %scan3A_94 = arith.addi %scan3A, %scan3A_93 : i32
      %scan3A_95 = arith.constant 1 : i32
      scf.for %scan3A_97 = %scan3A to %scan3A_94 step %scan3A_95  : i32 {
        %mul3A_98 = arith.constant 16 : i32
        %mul3A_99 = arith.muli %scan3A_97, %mul3A_98 : i32
        %add3A_100 = arith.constant 0 : i32
        %add3A_101 = arith.addi %add3A_100, %mul3A_99 : i32
        %get3A = arith.index_cast %add3A_101 : i32 to index
        %get3A_102 = tpu.vector_load %arg11[%get3A] {strides = array<i32>} : memref<4096xi32, #tpu.memory_space<vmem>>, vector<16xi32>,
        %gather3A = tpu.vector_load_idx %arg12[%mul3A_3, %get3A_102] : memref<1x100000xf32, #tpu.memory_space<vmem>>[vector<16xi32>, vector<16xi32>], vector<16xf32>,
        %swap3A = arith.index_cast %add3A_101 : i32 to index
        %swap3A_103 = tpu.vector_load %arg14[%swap3A] {strides = array<i32>} : memref<4096xf32, #tpu.memory_space<vmem>>, vector<16xf32>,
        tpu.vector_store %arg14[%swap3A], %gather3A {strides = array<i32>} : memref<4096xf32, #tpu.memory_space<vmem>>, vector<16xf32>,
      }
      %scan3A_96 = arith.constant 256 : i32
      "tpu.region"() ({
        %run_scoped3A = tpu.sem_alloc : memref<!tpu.dma_semaphore, #tpu.memory_space<semaphore_mem>>
        %dma_start3A = arith.constant 0 : i32
        %dma_start3A_97 = tpu.memref_slice %arg8[%sub3A_92, %dma_start3A] : memref<3x4096xf32, #tpu.memory_space<hbm>> -> memref<1x4096xf32, #tpu.memory_space<hbm>>
        %dma_start3A_98 = tpu.memref_squeeze %dma_start3A_97 : memref<1x4096xf32, #tpu.memory_space<hbm>> -> memref<4096xf32, #tpu.memory_space<hbm>>
        %dma_start3A_99 = arith.constant 0 : i32
        %dma_start3A_100 = tpu.memref_slice %arg8[%sub3A_92, %dma_start3A_99] : memref<3x4096xf32, #tpu.memory_space<hbm>> -> memref<1x4096xf32, #tpu.memory_space<hbm>>
        %dma_start3A_101 = tpu.memref_squeeze %dma_start3A_100 : memref<1x4096xf32, #tpu.memory_space<hbm>> -> memref<4096xf32, #tpu.memory_space<hbm>>
        tpu.enqueue_dma source(%arg14 : memref<4096xf32, #tpu.memory_space<vmem>>) target(%dma_start3A_101 : memref<4096xf32, #tpu.memory_space<hbm>>) target_semaphore(%run_scoped3A : memref<!tpu.dma_semaphore, #tpu.memory_space<semaphore_mem>>)
        %dma_wait3A = arith.constant 0 : i32
        %dma_wait3A_102 = tpu.memref_slice %arg8[%sub3A_92, %dma_wait3A] : memref<3x4096xf32, #tpu.memory_space<hbm>> -> memref<1x4096xf32, #tpu.memory_space<hbm>>
        %dma_wait3A_103 = tpu.memref_squeeze %dma_wait3A_102 : memref<1x4096xf32, #tpu.memory_space<hbm>> -> memref<4096xf32, #tpu.memory_space<hbm>>
        %dma_wait3A_104 = arith.constant 0 : i32
        %dma_wait3A_105 = tpu.memref_slice %arg8[%sub3A_92, %dma_wait3A_104] : memref<3x4096xf32, #tpu.memory_space<hbm>> -> memref<1x4096xf32, #tpu.memory_space<hbm>>
        %dma_wait3A_106 = tpu.memref_squeeze %dma_wait3A_105 : memref<1x4096xf32, #tpu.memory_space<hbm>> -> memref<4096xf32, #tpu.memory_space<hbm>>
        tpu.wait_dma2 semaphore(%run_scoped3A : memref<!tpu.dma_semaphore, #tpu.memory_space<semaphore_mem>>) src(%arg14 : memref<4096xf32, #tpu.memory_space<vmem>>) dst(%dma_wait3A_106 : memref<4096xf32, #tpu.memory_space<hbm>>)
        tpu.yield
      }) : () -> ()
    } else {
    }
    %ge3A_45 = arith.constant 13 : i32
    %ge3A_46 = arith.cmpi sge, %add3A_31, %ge3A_45 : i32
    %lt3A_47 = arith.constant 82 : i32
    %lt3A_48 = arith.cmpi slt, %add3A_31, %lt3A_47 : i32
    %and3A_49 = arith.andi %ge3A_46, %lt3A_48 : i1
    %convert_element_type3A_50 = arith.extui %and3A_49 : i1 to i32
    %cond3A_51 = arith.constant 0 : i32
    %cond3A_52 = arith.cmpi ne, %convert_element_type3A_50, %cond3A_51 : i32
    scf.if %cond3A_52 {
      %sub3A = arith.constant 13 : i32
      %sub3A_92 = arith.subi %add3A_31, %sub3A : i32
      "tpu.region"() ({
        %run_scoped3A = tpu.sem_alloc : memref<!tpu.dma_semaphore, #tpu.memory_space<semaphore_mem>>
        %dma_start3A = arith.constant 0 : i32
        %dma_start3A_97 = tpu.memref_slice %arg4[%sub3A_92, %dma_start3A] : memref<69x100000xf32, #tpu.memory_space<hbm>> -> memref<1x100000xf32, #tpu.memory_space<hbm>>
        %dma_start3A_98 = arith.constant 0 : i32
        %dma_start3A_99 = tpu.memref_slice %arg4[%sub3A_92, %dma_start3A_98] : memref<69x100000xf32, #tpu.memory_space<hbm>> -> memref<1x100000xf32, #tpu.memory_space<hbm>>
        tpu.enqueue_dma source(%dma_start3A_99 : memref<1x100000xf32, #tpu.memory_space<hbm>>) target(%arg12 : memref<1x100000xf32, #tpu.memory_space<vmem>>) target_semaphore(%run_scoped3A : memref<!tpu.dma_semaphore, #tpu.memory_space<semaphore_mem>>)
        %dma_wait3A = arith.constant 0 : i32
        %dma_wait3A_100 = tpu.memref_slice %arg4[%sub3A_92, %dma_wait3A] : memref<69x100000xf32, #tpu.memory_space<hbm>> -> memref<1x100000xf32, #tpu.memory_space<hbm>>
        %dma_wait3A_101 = arith.constant 0 : i32
        %dma_wait3A_102 = tpu.memref_slice %arg4[%sub3A_92, %dma_wait3A_101] : memref<69x100000xf32, #tpu.memory_space<hbm>> -> memref<1x100000xf32, #tpu.memory_space<hbm>>
        tpu.wait_dma2 semaphore(%run_scoped3A : memref<!tpu.dma_semaphore, #tpu.memory_space<semaphore_mem>>) src(%dma_wait3A_102 : memref<1x100000xf32, #tpu.memory_space<hbm>>) dst(%arg12 : memref<1x100000xf32, #tpu.memory_space<vmem>>)
        tpu.yield
      }) : () -> ()
      %scan3A = arith.constant 0 : i32
      %scan3A_93 = arith.constant 256 : i32
      %scan3A_94 = arith.addi %scan3A, %scan3A_93 : i32
      %scan3A_95 = arith.constant 1 : i32
      scf.for %scan3A_97 = %scan3A to %scan3A_94 step %scan3A_95  : i32 {
        %mul3A_98 = arith.constant 16 : i32
        %mul3A_99 = arith.muli %scan3A_97, %mul3A_98 : i32
        %add3A_100 = arith.constant 0 : i32
        %add3A_101 = arith.addi %add3A_100, %mul3A_99 : i32
        %get3A = arith.index_cast %add3A_101 : i32 to index
        %get3A_102 = tpu.vector_load %arg11[%get3A] {strides = array<i32>} : memref<4096xi32, #tpu.memory_space<vmem>>, vector<16xi32>,
        %gather3A = tpu.vector_load_idx %arg12[%mul3A_3, %get3A_102] : memref<1x100000xf32, #tpu.memory_space<vmem>>[vector<16xi32>, vector<16xi32>], vector<16xf32>,
        %swap3A = arith.index_cast %add3A_101 : i32 to index
        %swap3A_103 = tpu.vector_load %arg14[%swap3A] {strides = array<i32>} : memref<4096xf32, #tpu.memory_space<vmem>>, vector<16xf32>,
        tpu.vector_store %arg14[%swap3A], %gather3A {strides = array<i32>} : memref<4096xf32, #tpu.memory_space<vmem>>, vector<16xf32>,
      }
      %scan3A_96 = arith.constant 256 : i32
      "tpu.region"() ({
        %run_scoped3A = tpu.sem_alloc : memref<!tpu.dma_semaphore, #tpu.memory_space<semaphore_mem>>
        %dma_start3A = arith.constant 0 : i32
        %dma_start3A_97 = tpu.memref_slice %arg9[%sub3A_92, %dma_start3A] : memref<69x4096xf32, #tpu.memory_space<hbm>> -> memref<1x4096xf32, #tpu.memory_space<hbm>>
        %dma_start3A_98 = tpu.memref_squeeze %dma_start3A_97 : memref<1x4096xf32, #tpu.memory_space<hbm>> -> memref<4096xf32, #tpu.memory_space<hbm>>
        %dma_start3A_99 = arith.constant 0 : i32
        %dma_start3A_100 = tpu.memref_slice %arg9[%sub3A_92, %dma_start3A_99] : memref<69x4096xf32, #tpu.memory_space<hbm>> -> memref<1x4096xf32, #tpu.memory_space<hbm>>
        %dma_start3A_101 = tpu.memref_squeeze %dma_start3A_100 : memref<1x4096xf32, #tpu.memory_space<hbm>> -> memref<4096xf32, #tpu.memory_space<hbm>>
        tpu.enqueue_dma source(%arg14 : memref<4096xf32, #tpu.memory_space<vmem>>) target(%dma_start3A_101 : memref<4096xf32, #tpu.memory_space<hbm>>) target_semaphore(%run_scoped3A : memref<!tpu.dma_semaphore, #tpu.memory_space<semaphore_mem>>)
        %dma_wait3A = arith.constant 0 : i32
        %dma_wait3A_102 = tpu.memref_slice %arg9[%sub3A_92, %dma_wait3A] : memref<69x4096xf32, #tpu.memory_space<hbm>> -> memref<1x4096xf32, #tpu.memory_space<hbm>>
        %dma_wait3A_103 = tpu.memref_squeeze %dma_wait3A_102 : memref<1x4096xf32, #tpu.memory_space<hbm>> -> memref<4096xf32, #tpu.memory_space<hbm>>
        %dma_wait3A_104 = arith.constant 0 : i32
        %dma_wait3A_105 = tpu.memref_slice %arg9[%sub3A_92, %dma_wait3A_104] : memref<69x4096xf32, #tpu.memory_space<hbm>> -> memref<1x4096xf32, #tpu.memory_space<hbm>>
        %dma_wait3A_106 = tpu.memref_squeeze %dma_wait3A_105 : memref<1x4096xf32, #tpu.memory_space<hbm>> -> memref<4096xf32, #tpu.memory_space<hbm>>
        tpu.wait_dma2 semaphore(%run_scoped3A : memref<!tpu.dma_semaphore, #tpu.memory_space<semaphore_mem>>) src(%arg14 : memref<4096xf32, #tpu.memory_space<vmem>>) dst(%dma_wait3A_106 : memref<4096xf32, #tpu.memory_space<hbm>>)
        tpu.yield
      }) : () -> ()
    } else {
    }
    %ge3A_53 = arith.constant 82 : i32
    %ge3A_54 = arith.cmpi sge, %add3A_31, %ge3A_53 : i32
    %lt3A_55 = arith.constant 85 : i32
    %lt3A_56 = arith.cmpi slt, %add3A_31, %lt3A_55 : i32
    %and3A_57 = arith.andi %ge3A_54, %lt3A_56 : i1
    %convert_element_type3A_58 = arith.extui %and3A_57 : i1 to i32
    %cond3A_59 = arith.constant 0 : i32
    %cond3A_60 = arith.cmpi ne, %convert_element_type3A_58, %cond3A_59 : i32
    scf.if %cond3A_60 {
      %sub3A = arith.constant 82 : i32
      %sub3A_92 = arith.subi %add3A_31, %sub3A : i32
      "tpu.region"() ({
        %run_scoped3A = tpu.sem_alloc : memref<!tpu.dma_semaphore, #tpu.memory_space<semaphore_mem>>
        %dma_start3A = arith.constant 0 : i32
        %dma_start3A_97 = tpu.memref_slice %arg5[%sub3A_92, %dma_start3A] : memref<3x100000xf32, #tpu.memory_space<hbm>> -> memref<1x100000xf32, #tpu.memory_space<hbm>>
        %dma_start3A_98 = arith.constant 0 : i32
        %dma_start3A_99 = tpu.memref_slice %arg5[%sub3A_92, %dma_start3A_98] : memref<3x100000xf32, #tpu.memory_space<hbm>> -> memref<1x100000xf32, #tpu.memory_space<hbm>>
        tpu.enqueue_dma source(%dma_start3A_99 : memref<1x100000xf32, #tpu.memory_space<hbm>>) target(%arg12 : memref<1x100000xf32, #tpu.memory_space<vmem>>) target_semaphore(%run_scoped3A : memref<!tpu.dma_semaphore, #tpu.memory_space<semaphore_mem>>)
        %dma_wait3A = arith.constant 0 : i32
        %dma_wait3A_100 = tpu.memref_slice %arg5[%sub3A_92, %dma_wait3A] : memref<3x100000xf32, #tpu.memory_space<hbm>> -> memref<1x100000xf32, #tpu.memory_space<hbm>>
        %dma_wait3A_101 = arith.constant 0 : i32
        %dma_wait3A_102 = tpu.memref_slice %arg5[%sub3A_92, %dma_wait3A_101] : memref<3x100000xf32, #tpu.memory_space<hbm>> -> memref<1x100000xf32, #tpu.memory_space<hbm>>
        tpu.wait_dma2 semaphore(%run_scoped3A : memref<!tpu.dma_semaphore, #tpu.memory_space<semaphore_mem>>) src(%dma_wait3A_102 : memref<1x100000xf32, #tpu.memory_space<hbm>>) dst(%arg12 : memref<1x100000xf32, #tpu.memory_space<vmem>>)
        tpu.yield
      }) : () -> ()
      %scan3A = arith.constant 0 : i32
      %scan3A_93 = arith.constant 256 : i32
      %scan3A_94 = arith.addi %scan3A, %scan3A_93 : i32
      %scan3A_95 = arith.constant 1 : i32
      scf.for %scan3A_97 = %scan3A to %scan3A_94 step %scan3A_95  : i32 {
        %mul3A_98 = arith.constant 16 : i32
        %mul3A_99 = arith.muli %scan3A_97, %mul3A_98 : i32
        %add3A_100 = arith.constant 0 : i32
        %add3A_101 = arith.addi %add3A_100, %mul3A_99 : i32
        %get3A = arith.index_cast %add3A_101 : i32 to index
        %get3A_102 = tpu.vector_load %arg11[%get3A] {strides = array<i32>} : memref<4096xi32, #tpu.memory_space<vmem>>, vector<16xi32>,
        %gather3A = tpu.vector_load_idx %arg12[%mul3A_3, %get3A_102] : memref<1x100000xf32, #tpu.memory_space<vmem>>[vector<16xi32>, vector<16xi32>], vector<16xf32>,
        %swap3A = arith.index_cast %add3A_101 : i32 to index
        %swap3A_103 = tpu.vector_load %arg14[%swap3A] {strides = array<i32>} : memref<4096xf32, #tpu.memory_space<vmem>>, vector<16xf32>,
        tpu.vector_store %arg14[%swap3A], %gather3A {strides = array<i32>} : memref<4096xf32, #tpu.memory_space<vmem>>, vector<16xf32>,
      }
      %scan3A_96 = arith.constant 256 : i32
      "tpu.region"() ({
        %run_scoped3A = tpu.sem_alloc : memref<!tpu.dma_semaphore, #tpu.memory_space<semaphore_mem>>
        %dma_start3A = arith.constant 0 : i32
        %dma_start3A_97 = tpu.memref_slice %arg10[%sub3A_92, %dma_start3A] : memref<3x4096xf32, #tpu.memory_space<hbm>> -> memref<1x4096xf32, #tpu.memory_space<hbm>>
        %dma_start3A_98 = tpu.memref_squeeze %dma_start3A_97 : memref<1x4096xf32, #tpu.memory_space<hbm>> -> memref<4096xf32, #tpu.memory_space<hbm>>
        %dma_start3A_99 = arith.constant 0 : i32
        %dma_start3A_100 = tpu.memref_slice %arg10[%sub3A_92, %dma_start3A_99] : memref<3x4096xf32, #tpu.memory_space<hbm>> -> memref<1x4096xf32, #tpu.memory_space<hbm>>
        %dma_start3A_101 = tpu.memref_squeeze %dma_start3A_100 : memref<1x4096xf32, #tpu.memory_space<hbm>> -> memref<4096xf32, #tpu.memory_space<hbm>>
        tpu.enqueue_dma source(%arg14 : memref<4096xf32, #tpu.memory_space<vmem>>) target(%dma_start3A_101 : memref<4096xf32, #tpu.memory_space<hbm>>) target_semaphore(%run_scoped3A : memref<!tpu.dma_semaphore, #tpu.memory_space<semaphore_mem>>)
        %dma_wait3A = arith.constant 0 : i32
        %dma_wait3A_102 = tpu.memref_slice %arg10[%sub3A_92, %dma_wait3A] : memref<3x4096xf32, #tpu.memory_space<hbm>> -> memref<1x4096xf32, #tpu.memory_space<hbm>>
        %dma_wait3A_103 = tpu.memref_squeeze %dma_wait3A_102 : memref<1x4096xf32, #tpu.memory_space<hbm>> -> memref<4096xf32, #tpu.memory_space<hbm>>
        %dma_wait3A_104 = arith.constant 0 : i32
        %dma_wait3A_105 = tpu.memref_slice %arg10[%sub3A_92, %dma_wait3A_104] : memref<3x4096xf32, #tpu.memory_space<hbm>> -> memref<1x4096xf32, #tpu.memory_space<hbm>>
        %dma_wait3A_106 = tpu.memref_squeeze %dma_wait3A_105 : memref<1x4096xf32, #tpu.memory_space<hbm>> -> memref<4096xf32, #tpu.memory_space<hbm>>
        tpu.wait_dma2 semaphore(%run_scoped3A : memref<!tpu.dma_semaphore, #tpu.memory_space<semaphore_mem>>) src(%arg14 : memref<4096xf32, #tpu.memory_space<vmem>>) dst(%dma_wait3A_106 : memref<4096xf32, #tpu.memory_space<hbm>>)
        tpu.yield
      }) : () -> ()
    } else {
    }
    %add3A_61 = arith.constant 64 : i32
    %add3A_62 = arith.addi %add3A, %add3A_61 : i32
    %lt3A_63 = arith.constant 10 : i32
    %lt3A_64 = arith.cmpi slt, %add3A_62, %lt3A_63 : i32
    %convert_element_type3A_65 = arith.extui %lt3A_64 : i1 to i32
    %cond3A_66 = arith.constant 0 : i32
    %cond3A_67 = arith.cmpi ne, %convert_element_type3A_65, %cond3A_66 : i32
    scf.if %cond3A_67 {
      "tpu.region"() ({
        %run_scoped3A = tpu.sem_alloc : memref<!tpu.dma_semaphore, #tpu.memory_space<semaphore_mem>>
        %dma_start3A = arith.constant 0 : i32
        %dma_start3A_99 = tpu.memref_slice %arg2[%add3A_62, %dma_start3A] : memref<10x100000xf32, #tpu.memory_space<hbm>> -> memref<1x128xf32, #tpu.memory_space<hbm>>
        %dma_start3A_100 = arith.constant 0 : i32
        %dma_start3A_101 = tpu.memref_slice %arg2[%add3A_62, %dma_start3A_100] : memref<10x100000xf32, #tpu.memory_space<hbm>> -> memref<1x128xf32, #tpu.memory_space<hbm>>
        tpu.enqueue_dma source(%dma_start3A_101 : memref<1x128xf32, #tpu.memory_space<hbm>>) target(%arg13 : memref<1x128xf32, #tpu.memory_space<vmem>>) target_semaphore(%run_scoped3A : memref<!tpu.dma_semaphore, #tpu.memory_space<semaphore_mem>>)
        %dma_wait3A = arith.constant 0 : i32
        %dma_wait3A_102 = tpu.memref_slice %arg2[%add3A_62, %dma_wait3A] : memref<10x100000xf32, #tpu.memory_space<hbm>> -> memref<1x128xf32, #tpu.memory_space<hbm>>
        %dma_wait3A_103 = arith.constant 0 : i32
        %dma_wait3A_104 = tpu.memref_slice %arg2[%add3A_62, %dma_wait3A_103] : memref<10x100000xf32, #tpu.memory_space<hbm>> -> memref<1x128xf32, #tpu.memory_space<hbm>>
        tpu.wait_dma2 semaphore(%run_scoped3A : memref<!tpu.dma_semaphore, #tpu.memory_space<semaphore_mem>>) src(%dma_wait3A_104 : memref<1x128xf32, #tpu.memory_space<hbm>>) dst(%arg13 : memref<1x128xf32, #tpu.memory_space<vmem>>)
        tpu.yield
      }) : () -> ()
      %get3A = arith.constant 0 : index
      %get3A_92 = tpu.vector_load %arg11[%get3A] {strides = array<i32>} : memref<4096xi32, #tpu.memory_space<vmem>>, vector<16xi32>,
      %min3A = arith.constant 0 : i32
      %min3A_93 = vector.broadcast %min3A : i32 to vector<16xi32>
      %min3A_94 = arith.minsi %get3A_92, %min3A_93 : vector<16xi32>
      %gather3A = tpu.vector_load_idx %arg13[%min3A_94, %min3A_94] : memref<1x128xf32, #tpu.memory_space<vmem>>[vector<16xi32>, vector<16xi32>], vector<16xf32>,
      %scan3A = arith.constant 0 : i32
      %scan3A_95 = arith.constant 256 : i32
      %scan3A_96 = arith.addi %scan3A, %scan3A_95 : i32
      %scan3A_97 = arith.constant 1 : i32
      scf.for %scan3A_99 = %scan3A to %scan3A_96 step %scan3A_97  : i32 {
        %mul3A_100 = arith.constant 16 : i32
        %mul3A_101 = arith.muli %scan3A_99, %mul3A_100 : i32
        %add3A_102 = arith.constant 0 : i32
        %add3A_103 = arith.addi %add3A_102, %mul3A_101 : i32
        %swap3A = arith.index_cast %add3A_103 : i32 to index
        %swap3A_104 = tpu.vector_load %arg14[%swap3A] {strides = array<i32>} : memref<4096xf32, #tpu.memory_space<vmem>>, vector<16xf32>,
        tpu.vector_store %arg14[%swap3A], %gather3A {strides = array<i32>} : memref<4096xf32, #tpu.memory_space<vmem>>, vector<16xf32>,
      }
      %scan3A_98 = arith.constant 256 : i32
      "tpu.region"() ({
        %run_scoped3A = tpu.sem_alloc : memref<!tpu.dma_semaphore, #tpu.memory_space<semaphore_mem>>
        %dma_start3A = arith.constant 0 : i32
        %dma_start3A_99 = tpu.memref_slice %arg7[%add3A_62, %dma_start3A] : memref<10x4096xf32, #tpu.memory_space<hbm>> -> memref<1x4096xf32, #tpu.memory_space<hbm>>
        %dma_start3A_100 = tpu.memref_squeeze %dma_start3A_99 : memref<1x4096xf32, #tpu.memory_space<hbm>> -> memref<4096xf32, #tpu.memory_space<hbm>>
        %dma_start3A_101 = arith.constant 0 : i32
        %dma_start3A_102 = tpu.memref_slice %arg7[%add3A_62, %dma_start3A_101] : memref<10x4096xf32, #tpu.memory_space<hbm>> -> memref<1x4096xf32, #tpu.memory_space<hbm>>
        %dma_start3A_103 = tpu.memref_squeeze %dma_start3A_102 : memref<1x4096xf32, #tpu.memory_space<hbm>> -> memref<4096xf32, #tpu.memory_space<hbm>>
        tpu.enqueue_dma source(%arg14 : memref<4096xf32, #tpu.memory_space<vmem>>) target(%dma_start3A_103 : memref<4096xf32, #tpu.memory_space<hbm>>) target_semaphore(%run_scoped3A : memref<!tpu.dma_semaphore, #tpu.memory_space<semaphore_mem>>)
        %dma_wait3A = arith.constant 0 : i32
        %dma_wait3A_104 = tpu.memref_slice %arg7[%add3A_62, %dma_wait3A] : memref<10x4096xf32, #tpu.memory_space<hbm>> -> memref<1x4096xf32, #tpu.memory_space<hbm>>
        %dma_wait3A_105 = tpu.memref_squeeze %dma_wait3A_104 : memref<1x4096xf32, #tpu.memory_space<hbm>> -> memref<4096xf32, #tpu.memory_space<hbm>>
        %dma_wait3A_106 = arith.constant 0 : i32
        %dma_wait3A_107 = tpu.memref_slice %arg7[%add3A_62, %dma_wait3A_106] : memref<10x4096xf32, #tpu.memory_space<hbm>> -> memref<1x4096xf32, #tpu.memory_space<hbm>>
        %dma_wait3A_108 = tpu.memref_squeeze %dma_wait3A_107 : memref<1x4096xf32, #tpu.memory_space<hbm>> -> memref<4096xf32, #tpu.memory_space<hbm>>
        tpu.wait_dma2 semaphore(%run_scoped3A : memref<!tpu.dma_semaphore, #tpu.memory_space<semaphore_mem>>) src(%arg14 : memref<4096xf32, #tpu.memory_space<vmem>>) dst(%dma_wait3A_108 : memref<4096xf32, #tpu.memory_space<hbm>>)
        tpu.yield
      }) : () -> ()
    } else {
    }
    %ge3A_68 = arith.constant 10 : i32
    %ge3A_69 = arith.cmpi sge, %add3A_62, %ge3A_68 : i32
    %lt3A_70 = arith.constant 13 : i32
    %lt3A_71 = arith.cmpi slt, %add3A_62, %lt3A_70 : i32
    %and3A_72 = arith.andi %ge3A_69, %lt3A_71 : i1
    %convert_element_type3A_73 = arith.extui %and3A_72 : i1 to i32
    %cond3A_74 = arith.constant 0 : i32
    %cond3A_75 = arith.cmpi ne, %convert_element_type3A_73, %cond3A_74 : i32
    scf.if %cond3A_75 {
      %sub3A = arith.constant 10 : i32
      %sub3A_92 = arith.subi %add3A_62, %sub3A : i32
      "tpu.region"() ({
        %run_scoped3A = tpu.sem_alloc : memref<!tpu.dma_semaphore, #tpu.memory_space<semaphore_mem>>
        %dma_start3A = arith.constant 0 : i32
        %dma_start3A_97 = tpu.memref_slice %arg3[%sub3A_92, %dma_start3A] : memref<3x100000xf32, #tpu.memory_space<hbm>> -> memref<1x100000xf32, #tpu.memory_space<hbm>>
        %dma_start3A_98 = arith.constant 0 : i32
        %dma_start3A_99 = tpu.memref_slice %arg3[%sub3A_92, %dma_start3A_98] : memref<3x100000xf32, #tpu.memory_space<hbm>> -> memref<1x100000xf32, #tpu.memory_space<hbm>>
        tpu.enqueue_dma source(%dma_start3A_99 : memref<1x100000xf32, #tpu.memory_space<hbm>>) target(%arg12 : memref<1x100000xf32, #tpu.memory_space<vmem>>) target_semaphore(%run_scoped3A : memref<!tpu.dma_semaphore, #tpu.memory_space<semaphore_mem>>)
        %dma_wait3A = arith.constant 0 : i32
        %dma_wait3A_100 = tpu.memref_slice %arg3[%sub3A_92, %dma_wait3A] : memref<3x100000xf32, #tpu.memory_space<hbm>> -> memref<1x100000xf32, #tpu.memory_space<hbm>>
        %dma_wait3A_101 = arith.constant 0 : i32
        %dma_wait3A_102 = tpu.memref_slice %arg3[%sub3A_92, %dma_wait3A_101] : memref<3x100000xf32, #tpu.memory_space<hbm>> -> memref<1x100000xf32, #tpu.memory_space<hbm>>
        tpu.wait_dma2 semaphore(%run_scoped3A : memref<!tpu.dma_semaphore, #tpu.memory_space<semaphore_mem>>) src(%dma_wait3A_102 : memref<1x100000xf32, #tpu.memory_space<hbm>>) dst(%arg12 : memref<1x100000xf32, #tpu.memory_space<vmem>>)
        tpu.yield
      }) : () -> ()
      %scan3A = arith.constant 0 : i32
      %scan3A_93 = arith.constant 256 : i32
      %scan3A_94 = arith.addi %scan3A, %scan3A_93 : i32
      %scan3A_95 = arith.constant 1 : i32
      scf.for %scan3A_97 = %scan3A to %scan3A_94 step %scan3A_95  : i32 {
        %mul3A_98 = arith.constant 16 : i32
        %mul3A_99 = arith.muli %scan3A_97, %mul3A_98 : i32
        %add3A_100 = arith.constant 0 : i32
        %add3A_101 = arith.addi %add3A_100, %mul3A_99 : i32
        %get3A = arith.index_cast %add3A_101 : i32 to index
        %get3A_102 = tpu.vector_load %arg11[%get3A] {strides = array<i32>} : memref<4096xi32, #tpu.memory_space<vmem>>, vector<16xi32>,
        %gather3A = tpu.vector_load_idx %arg12[%mul3A_3, %get3A_102] : memref<1x100000xf32, #tpu.memory_space<vmem>>[vector<16xi32>, vector<16xi32>], vector<16xf32>,
        %swap3A = arith.index_cast %add3A_101 : i32 to index
        %swap3A_103 = tpu.vector_load %arg14[%swap3A] {strides = array<i32>} : memref<4096xf32, #tpu.memory_space<vmem>>, vector<16xf32>,
        tpu.vector_store %arg14[%swap3A], %gather3A {strides = array<i32>} : memref<4096xf32, #tpu.memory_space<vmem>>, vector<16xf32>,
      }
      %scan3A_96 = arith.constant 256 : i32
      "tpu.region"() ({
        %run_scoped3A = tpu.sem_alloc : memref<!tpu.dma_semaphore, #tpu.memory_space<semaphore_mem>>
        %dma_start3A = arith.constant 0 : i32
        %dma_start3A_97 = tpu.memref_slice %arg8[%sub3A_92, %dma_start3A] : memref<3x4096xf32, #tpu.memory_space<hbm>> -> memref<1x4096xf32, #tpu.memory_space<hbm>>
        %dma_start3A_98 = tpu.memref_squeeze %dma_start3A_97 : memref<1x4096xf32, #tpu.memory_space<hbm>> -> memref<4096xf32, #tpu.memory_space<hbm>>
        %dma_start3A_99 = arith.constant 0 : i32
        %dma_start3A_100 = tpu.memref_slice %arg8[%sub3A_92, %dma_start3A_99] : memref<3x4096xf32, #tpu.memory_space<hbm>> -> memref<1x4096xf32, #tpu.memory_space<hbm>>
        %dma_start3A_101 = tpu.memref_squeeze %dma_start3A_100 : memref<1x4096xf32, #tpu.memory_space<hbm>> -> memref<4096xf32, #tpu.memory_space<hbm>>
        tpu.enqueue_dma source(%arg14 : memref<4096xf32, #tpu.memory_space<vmem>>) target(%dma_start3A_101 : memref<4096xf32, #tpu.memory_space<hbm>>) target_semaphore(%run_scoped3A : memref<!tpu.dma_semaphore, #tpu.memory_space<semaphore_mem>>)
        %dma_wait3A = arith.constant 0 : i32
        %dma_wait3A_102 = tpu.memref_slice %arg8[%sub3A_92, %dma_wait3A] : memref<3x4096xf32, #tpu.memory_space<hbm>> -> memref<1x4096xf32, #tpu.memory_space<hbm>>
        %dma_wait3A_103 = tpu.memref_squeeze %dma_wait3A_102 : memref<1x4096xf32, #tpu.memory_space<hbm>> -> memref<4096xf32, #tpu.memory_space<hbm>>
        %dma_wait3A_104 = arith.constant 0 : i32
        %dma_wait3A_105 = tpu.memref_slice %arg8[%sub3A_92, %dma_wait3A_104] : memref<3x4096xf32, #tpu.memory_space<hbm>> -> memref<1x4096xf32, #tpu.memory_space<hbm>>
        %dma_wait3A_106 = tpu.memref_squeeze %dma_wait3A_105 : memref<1x4096xf32, #tpu.memory_space<hbm>> -> memref<4096xf32, #tpu.memory_space<hbm>>
        tpu.wait_dma2 semaphore(%run_scoped3A : memref<!tpu.dma_semaphore, #tpu.memory_space<semaphore_mem>>) src(%arg14 : memref<4096xf32, #tpu.memory_space<vmem>>) dst(%dma_wait3A_106 : memref<4096xf32, #tpu.memory_space<hbm>>)
        tpu.yield
      }) : () -> ()
    } else {
    }
    %ge3A_76 = arith.constant 13 : i32
    %ge3A_77 = arith.cmpi sge, %add3A_62, %ge3A_76 : i32
    %lt3A_78 = arith.constant 82 : i32
    %lt3A_79 = arith.cmpi slt, %add3A_62, %lt3A_78 : i32
    %and3A_80 = arith.andi %ge3A_77, %lt3A_79 : i1
    %convert_element_type3A_81 = arith.extui %and3A_80 : i1 to i32
    %cond3A_82 = arith.constant 0 : i32
    %cond3A_83 = arith.cmpi ne, %convert_element_type3A_81, %cond3A_82 : i32
    scf.if %cond3A_83 {
      %sub3A = arith.constant 13 : i32
      %sub3A_92 = arith.subi %add3A_62, %sub3A : i32
      "tpu.region"() ({
        %run_scoped3A = tpu.sem_alloc : memref<!tpu.dma_semaphore, #tpu.memory_space<semaphore_mem>>
        %dma_start3A = arith.constant 0 : i32
        %dma_start3A_97 = tpu.memref_slice %arg4[%sub3A_92, %dma_start3A] : memref<69x100000xf32, #tpu.memory_space<hbm>> -> memref<1x100000xf32, #tpu.memory_space<hbm>>
        %dma_start3A_98 = arith.constant 0 : i32
        %dma_start3A_99 = tpu.memref_slice %arg4[%sub3A_92, %dma_start3A_98] : memref<69x100000xf32, #tpu.memory_space<hbm>> -> memref<1x100000xf32, #tpu.memory_space<hbm>>
        tpu.enqueue_dma source(%dma_start3A_99 : memref<1x100000xf32, #tpu.memory_space<hbm>>) target(%arg12 : memref<1x100000xf32, #tpu.memory_space<vmem>>) target_semaphore(%run_scoped3A : memref<!tpu.dma_semaphore, #tpu.memory_space<semaphore_mem>>)
        %dma_wait3A = arith.constant 0 : i32
        %dma_wait3A_100 = tpu.memref_slice %arg4[%sub3A_92, %dma_wait3A] : memref<69x100000xf32, #tpu.memory_space<hbm>> -> memref<1x100000xf32, #tpu.memory_space<hbm>>
        %dma_wait3A_101 = arith.constant 0 : i32
        %dma_wait3A_102 = tpu.memref_slice %arg4[%sub3A_92, %dma_wait3A_101] : memref<69x100000xf32, #tpu.memory_space<hbm>> -> memref<1x100000xf32, #tpu.memory_space<hbm>>
        tpu.wait_dma2 semaphore(%run_scoped3A : memref<!tpu.dma_semaphore, #tpu.memory_space<semaphore_mem>>) src(%dma_wait3A_102 : memref<1x100000xf32, #tpu.memory_space<hbm>>) dst(%arg12 : memref<1x100000xf32, #tpu.memory_space<vmem>>)
        tpu.yield
      }) : () -> ()
      %scan3A = arith.constant 0 : i32
      %scan3A_93 = arith.constant 256 : i32
      %scan3A_94 = arith.addi %scan3A, %scan3A_93 : i32
      %scan3A_95 = arith.constant 1 : i32
      scf.for %scan3A_97 = %scan3A to %scan3A_94 step %scan3A_95  : i32 {
        %mul3A_98 = arith.constant 16 : i32
        %mul3A_99 = arith.muli %scan3A_97, %mul3A_98 : i32
        %add3A_100 = arith.constant 0 : i32
        %add3A_101 = arith.addi %add3A_100, %mul3A_99 : i32
        %get3A = arith.index_cast %add3A_101 : i32 to index
        %get3A_102 = tpu.vector_load %arg11[%get3A] {strides = array<i32>} : memref<4096xi32, #tpu.memory_space<vmem>>, vector<16xi32>,
        %gather3A = tpu.vector_load_idx %arg12[%mul3A_3, %get3A_102] : memref<1x100000xf32, #tpu.memory_space<vmem>>[vector<16xi32>, vector<16xi32>], vector<16xf32>,
        %swap3A = arith.index_cast %add3A_101 : i32 to index
        %swap3A_103 = tpu.vector_load %arg14[%swap3A] {strides = array<i32>} : memref<4096xf32, #tpu.memory_space<vmem>>, vector<16xf32>,
        tpu.vector_store %arg14[%swap3A], %gather3A {strides = array<i32>} : memref<4096xf32, #tpu.memory_space<vmem>>, vector<16xf32>,
      }
      %scan3A_96 = arith.constant 256 : i32
      "tpu.region"() ({
        %run_scoped3A = tpu.sem_alloc : memref<!tpu.dma_semaphore, #tpu.memory_space<semaphore_mem>>
        %dma_start3A = arith.constant 0 : i32
        %dma_start3A_97 = tpu.memref_slice %arg9[%sub3A_92, %dma_start3A] : memref<69x4096xf32, #tpu.memory_space<hbm>> -> memref<1x4096xf32, #tpu.memory_space<hbm>>
        %dma_start3A_98 = tpu.memref_squeeze %dma_start3A_97 : memref<1x4096xf32, #tpu.memory_space<hbm>> -> memref<4096xf32, #tpu.memory_space<hbm>>
        %dma_start3A_99 = arith.constant 0 : i32
        %dma_start3A_100 = tpu.memref_slice %arg9[%sub3A_92, %dma_start3A_99] : memref<69x4096xf32, #tpu.memory_space<hbm>> -> memref<1x4096xf32, #tpu.memory_space<hbm>>
        %dma_start3A_101 = tpu.memref_squeeze %dma_start3A_100 : memref<1x4096xf32, #tpu.memory_space<hbm>> -> memref<4096xf32, #tpu.memory_space<hbm>>
        tpu.enqueue_dma source(%arg14 : memref<4096xf32, #tpu.memory_space<vmem>>) target(%dma_start3A_101 : memref<4096xf32, #tpu.memory_space<hbm>>) target_semaphore(%run_scoped3A : memref<!tpu.dma_semaphore, #tpu.memory_space<semaphore_mem>>)
        %dma_wait3A = arith.constant 0 : i32
        %dma_wait3A_102 = tpu.memref_slice %arg9[%sub3A_92, %dma_wait3A] : memref<69x4096xf32, #tpu.memory_space<hbm>> -> memref<1x4096xf32, #tpu.memory_space<hbm>>
        %dma_wait3A_103 = tpu.memref_squeeze %dma_wait3A_102 : memref<1x4096xf32, #tpu.memory_space<hbm>> -> memref<4096xf32, #tpu.memory_space<hbm>>
        %dma_wait3A_104 = arith.constant 0 : i32
        %dma_wait3A_105 = tpu.memref_slice %arg9[%sub3A_92, %dma_wait3A_104] : memref<69x4096xf32, #tpu.memory_space<hbm>> -> memref<1x4096xf32, #tpu.memory_space<hbm>>
        %dma_wait3A_106 = tpu.memref_squeeze %dma_wait3A_105 : memref<1x4096xf32, #tpu.memory_space<hbm>> -> memref<4096xf32, #tpu.memory_space<hbm>>
        tpu.wait_dma2 semaphore(%run_scoped3A : memref<!tpu.dma_semaphore, #tpu.memory_space<semaphore_mem>>) src(%arg14 : memref<4096xf32, #tpu.memory_space<vmem>>) dst(%dma_wait3A_106 : memref<4096xf32, #tpu.memory_space<hbm>>)
        tpu.yield
      }) : () -> ()
    } else {
    }
    %ge3A_84 = arith.constant 82 : i32
    %ge3A_85 = arith.cmpi sge, %add3A_62, %ge3A_84 : i32
    %lt3A_86 = arith.constant 85 : i32
    %lt3A_87 = arith.cmpi slt, %add3A_62, %lt3A_86 : i32
    %and3A_88 = arith.andi %ge3A_85, %lt3A_87 : i1
    %convert_element_type3A_89 = arith.extui %and3A_88 : i1 to i32
    %cond3A_90 = arith.constant 0 : i32
    %cond3A_91 = arith.cmpi ne, %convert_element_type3A_89, %cond3A_90 : i32
    scf.if %cond3A_91 {
      %sub3A = arith.constant 82 : i32
      %sub3A_92 = arith.subi %add3A_62, %sub3A : i32
      "tpu.region"() ({
        %run_scoped3A = tpu.sem_alloc : memref<!tpu.dma_semaphore, #tpu.memory_space<semaphore_mem>>
        %dma_start3A = arith.constant 0 : i32
        %dma_start3A_97 = tpu.memref_slice %arg5[%sub3A_92, %dma_start3A] : memref<3x100000xf32, #tpu.memory_space<hbm>> -> memref<1x100000xf32, #tpu.memory_space<hbm>>
        %dma_start3A_98 = arith.constant 0 : i32
        %dma_start3A_99 = tpu.memref_slice %arg5[%sub3A_92, %dma_start3A_98] : memref<3x100000xf32, #tpu.memory_space<hbm>> -> memref<1x100000xf32, #tpu.memory_space<hbm>>
        tpu.enqueue_dma source(%dma_start3A_99 : memref<1x100000xf32, #tpu.memory_space<hbm>>) target(%arg12 : memref<1x100000xf32, #tpu.memory_space<vmem>>) target_semaphore(%run_scoped3A : memref<!tpu.dma_semaphore, #tpu.memory_space<semaphore_mem>>)
        %dma_wait3A = arith.constant 0 : i32
        %dma_wait3A_100 = tpu.memref_slice %arg5[%sub3A_92, %dma_wait3A] : memref<3x100000xf32, #tpu.memory_space<hbm>> -> memref<1x100000xf32, #tpu.memory_space<hbm>>
        %dma_wait3A_101 = arith.constant 0 : i32
        %dma_wait3A_102 = tpu.memref_slice %arg5[%sub3A_92, %dma_wait3A_101] : memref<3x100000xf32, #tpu.memory_space<hbm>> -> memref<1x100000xf32, #tpu.memory_space<hbm>>
        tpu.wait_dma2 semaphore(%run_scoped3A : memref<!tpu.dma_semaphore, #tpu.memory_space<semaphore_mem>>) src(%dma_wait3A_102 : memref<1x100000xf32, #tpu.memory_space<hbm>>) dst(%arg12 : memref<1x100000xf32, #tpu.memory_space<vmem>>)
        tpu.yield
      }) : () -> ()
      %scan3A = arith.constant 0 : i32
      %scan3A_93 = arith.constant 256 : i32
      %scan3A_94 = arith.addi %scan3A, %scan3A_93 : i32
      %scan3A_95 = arith.constant 1 : i32
      scf.for %scan3A_97 = %scan3A to %scan3A_94 step %scan3A_95  : i32 {
        %mul3A_98 = arith.constant 16 : i32
        %mul3A_99 = arith.muli %scan3A_97, %mul3A_98 : i32
        %add3A_100 = arith.constant 0 : i32
        %add3A_101 = arith.addi %add3A_100, %mul3A_99 : i32
        %get3A = arith.index_cast %add3A_101 : i32 to index
        %get3A_102 = tpu.vector_load %arg11[%get3A] {strides = array<i32>} : memref<4096xi32, #tpu.memory_space<vmem>>, vector<16xi32>,
        %gather3A = tpu.vector_load_idx %arg12[%mul3A_3, %get3A_102] : memref<1x100000xf32, #tpu.memory_space<vmem>>[vector<16xi32>, vector<16xi32>], vector<16xf32>,
        %swap3A = arith.index_cast %add3A_101 : i32 to index
        %swap3A_103 = tpu.vector_load %arg14[%swap3A] {strides = array<i32>} : memref<4096xf32, #tpu.memory_space<vmem>>, vector<16xf32>,
        tpu.vector_store %arg14[%swap3A], %gather3A {strides = array<i32>} : memref<4096xf32, #tpu.memory_space<vmem>>, vector<16xf32>,
      }
      %scan3A_96 = arith.constant 256 : i32
      "tpu.region"() ({
        %run_scoped3A = tpu.sem_alloc : memref<!tpu.dma_semaphore, #tpu.memory_space<semaphore_mem>>
        %dma_start3A = arith.constant 0 : i32
        %dma_start3A_97 = tpu.memref_slice %arg10[%sub3A_92, %dma_start3A] : memref<3x4096xf32, #tpu.memory_space<hbm>> -> memref<1x4096xf32, #tpu.memory_space<hbm>>
        %dma_start3A_98 = tpu.memref_squeeze %dma_start3A_97 : memref<1x4096xf32, #tpu.memory_space<hbm>> -> memref<4096xf32, #tpu.memory_space<hbm>>
        %dma_start3A_99 = arith.constant 0 : i32
        %dma_start3A_100 = tpu.memref_slice %arg10[%sub3A_92, %dma_start3A_99] : memref<3x4096xf32, #tpu.memory_space<hbm>> -> memref<1x4096xf32, #tpu.memory_space<hbm>>
        %dma_start3A_101 = tpu.memref_squeeze %dma_start3A_100 : memref<1x4096xf32, #tpu.memory_space<hbm>> -> memref<4096xf32, #tpu.memory_space<hbm>>
        tpu.enqueue_dma source(%arg14 : memref<4096xf32, #tpu.memory_space<vmem>>) target(%dma_start3A_101 : memref<4096xf32, #tpu.memory_space<hbm>>) target_semaphore(%run_scoped3A : memref<!tpu.dma_semaphore, #tpu.memory_space<semaphore_mem>>)
        %dma_wait3A = arith.constant 0 : i32
        %dma_wait3A_102 = tpu.memref_slice %arg10[%sub3A_92, %dma_wait3A] : memref<3x4096xf32, #tpu.memory_space<hbm>> -> memref<1x4096xf32, #tpu.memory_space<hbm>>
        %dma_wait3A_103 = tpu.memref_squeeze %dma_wait3A_102 : memref<1x4096xf32, #tpu.memory_space<hbm>> -> memref<4096xf32, #tpu.memory_space<hbm>>
        %dma_wait3A_104 = arith.constant 0 : i32
        %dma_wait3A_105 = tpu.memref_slice %arg10[%sub3A_92, %dma_wait3A_104] : memref<3x4096xf32, #tpu.memory_space<hbm>> -> memref<1x4096xf32, #tpu.memory_space<hbm>>
        %dma_wait3A_106 = tpu.memref_squeeze %dma_wait3A_105 : memref<1x4096xf32, #tpu.memory_space<hbm>> -> memref<4096xf32, #tpu.memory_space<hbm>>
        tpu.wait_dma2 semaphore(%run_scoped3A : memref<!tpu.dma_semaphore, #tpu.memory_space<semaphore_mem>>) src(%arg14 : memref<4096xf32, #tpu.memory_space<vmem>>) dst(%dma_wait3A_106 : memref<4096xf32, #tpu.memory_space<hbm>>)
        tpu.yield
      }) : () -> ()
    } else {
    }
    return
  }
}

</mosaic_0001>

<sc_bundles>
// kernel: kernel.3.cloned.1.call-start
scs
__scs_entry_jumppad:
0x0: {  	(pc) =	sbr.rel $0x88, $3  }
0x1: {  	(tag) =	ssettag $0x0;
	lr =	simm.s32 $0x1  }
0x2: {  	[smem:$0x3F9C] =	sst lr;
	_ =	strace $0xD0000000  }
0x3: {  	_ = 	snop  }
0x4: {  	_ = 	snop  }
0x5: {  	_ = 	snop  }
0x6: {  	_ = 	snop  }
0x7: {  	_ = 	snop  }
__scs_overlays_trampoline_lowered:
0x8: {  	[smem:$0x3FAB] =	sst s0  }
0x9: {  	[smem:$0x3FAC] =	sst s1  }
0xa: {  	[smem:$0x3FAD] =	sst s2  }
0xb: {  	[smem:$0x3FAE] =	sst s3  }
0xc: {  	[smem:$0x3FAF] =	sst s4  }
0xd: {  	[smem:$0x3FB0] =	sst s5  }
0xe: {  	[smem:$0x3FB1] =	sst s6  }
0xf: {  	[smem:$0x3FB2] =	sst s7  }
0x10: {  	[smem:$0x3FB3] =	sst s8  }
0x11: {  	[smem:$0x3FB4] =	sst s9;
	s0 =	simm.s32 @!p0 $0x0  }
0x12: {  	s1 =	sld [smem:$0x3F9A];
	s0 =	simm.s32 @p0 $0x1  }
0x13: {  	[smem:$0x3FB5] =	sst s0;
	s0 =	simm.s32 @!p1 $0x0  }
0x14: {  	s2 =	sld [smem:$0x3F99];
	s0 =	simm.s32 @p1 $0x1  }
0x15: {  	[smem:$0x3FB6] =	sst s0;
	s0 =	simm.s32 @!p2 $0x0  }
0x16: {  	s3 =	sld [smem:$0x3FDB];
	s0 =	simm.s32 @p2 $0x1  }
0x17: {  	s4 =	simm.s32 $0x1BF5;
	[smem:$0x3FB8] =	sst s0  }
0x18: {  	s0 =	sld [smem:$0x3F9B];
	_ =	swait.ge [sflag:s4], $0x0  }
0x19: {  	s7 =	sld [smem:$0x3F9C]  }
0x1a: {  	s8 =	sadd.s32 $0xFFFFE003, lr  }
0x1b: {  	s9 =	sadd.s32 $0xFFFFFEF7, lr;
	s5 =	simm.s32 $0xFFFFFFFF;
	p2 =	slt.u32 s8, $0xFFFFF086  }
0x1c: {  	p1 =	slt.u32 s9, $0xF7A;
	s5 =	simm.s32 @!p2 $0x0  }
0x1d: {  	s5 =	simm.s32 @p1 $0x1;
	p0 =	seq.s32 s7, s2  }
0x1e: {  	s7 =	smul.u32 @!p0 $0xF7A, s2;
	p2 =	seq.s32 @!p0 s5, $0x0  }
0x1f: {  	s9 =	smul.u32 $0xF7A, s1;
	s8 =	simm.s32 @!p0 $0x1BF5;
	p2 =	por !p2, p0  }
0x20: {  	[sflag:s8] =	ssyncset.s32 @!p0 $0xFFFFF086;
	s6 =	sadd.s32 @!p0 s3, s7;
	s7 =	simm.s32 @!p0 $0x108  }
0x21: {  	s3 =	sadd.s32 s3, s9;
	s6 =	sadd.s32 @!p0 $0x88, s6;
	s7 =	simm.s32 @p2 $0x1082  }
0x22: {  	[simem:s7], [sflag:s8] =	dma.local @!p0 [hbm:s6], $0xF7A  }
0x23: {  	s9 =	sor.u32 $0xD0000000, s2;
	s6 =	simm.s32 $0x108;
	_ =	swait.ge @!p0 [sflag:s8], $0x0  }
0x24: {  	s3 =	sadd.s32 $0x88, s3;
	s6 =	simm.s32 @!p1 $0x1082;
	[sflag:s4] =	ssyncset.s32 $0xFFFFF086  }
0x25: {  	[simem:s6], [sflag:s4] =	dma.local [hbm:s3], $0xF7A  }
0x26: {  	[smem:$0x3F9C] =	sst s1;
	(tag) =	ssettag s2;
	_ =	strace s9  }
0x27: {  	s1 =	sld [smem:$0x3FAC]  }
0x28: {  	s2 =	sld [smem:$0x3FAD]  }
0x29: {  	s4 =	sld [smem:$0x3FAF]  }
0x2a: {  	p0 =	seq.s32 s5, $0x0;
	s5 =	sld [smem:$0x3FB0]  }
0x2b: {  	s6 =	sld [smem:$0x3FB1]  }
0x2c: {  	s7 =	sld [smem:$0x3FB2]  }
0x2d: {  	s3 =	simm.s32 $0x108;
	s8 =	sld [smem:$0x3FB3]  }
0x2e: {  	s3 =	simm.s32 @!p0 $0x1082;
	s9 =	sld [smem:$0x3FB4]  }
0x2f: {  	lr =	sadd.s32 s0, s3;
	s0 =	sld [smem:$0x3FAB]  }
0x30: {  	s3 =	sld [smem:$0x3FAE]  }
0x31: {  	[smem:$0x3FB7] =	sst s10  }
0x32: {  	s10 =	sld [smem:$0x3FB5];
	_ =	sdelay $0x3  }
0x33: {  	p0 =	seq.s32 s10, $0x1;
	s10 =	sld [smem:$0x3FB7];
	_ =	sdelay $0x3  }
0x34: {  	[smem:$0x3FB7] =	sst s10  }
0x35: {  	s10 =	sld [smem:$0x3FB6];
	_ =	sdelay $0x3  }
0x36: {  	p1 =	seq.s32 s10, $0x1;
	s10 =	sld [smem:$0x3FB7];
	_ =	sdelay $0x3  }
0x37: {  	[smem:$0x3FB7] =	sst s10  }
0x38: {  	s10 =	sld [smem:$0x3FB8]  }
0x39: {  	_ = 	snop;
	(pc) =	sbr.ind lr, $3  }
0x3a: {  	_ = 	snop  }
0x3b: {  	_ = 	snop  }
0x3c: {  	p2 =	seq.s32 s10, $0x1;
	s10 =	sld [smem:$0x3FB7]  }
0x3d: {  	_ =	shalt  }
0x3e: {  	_ =	shalt  }
0x3f: {  	_ =	shalt  }
0x40: {  	_ =	shalt  }
0x41: {  	_ =	shalt  }
0x42: {  	_ =	shalt  }
0x43: {  	_ =	shalt  }
0x44: {  	_ =	shalt  }
0x45: {  	_ =	shalt  }
0x46: {  	_ =	shalt  }
0x47: {  	_ =	shalt  }
0x48: {  	_ =	shalt  }
0x49: {  	_ =	shalt  }
0x4a: {  	_ =	shalt  }
0x4b: {  	_ =	shalt  }
0x4c: {  	_ =	shalt  }
0x4d: {  	_ =	shalt  }
0x4e: {  	_ =	shalt  }
0x4f: {  	_ =	shalt  }
0x50: {  	_ =	shalt  }
0x51: {  	_ =	shalt  }
0x52: {  	_ =	shalt  }
0x53: {  	_ =	shalt  }
0x54: {  	_ =	shalt  }
0x55: {  	_ =	shalt  }
0x56: {  	_ =	shalt  }
0x57: {  	_ =	shalt  }
0x58: {  	_ =	shalt  }
0x59: {  	_ =	shalt  }
0x5a: {  	_ =	shalt  }
0x5b: {  	_ =	shalt  }
0x5c: {  	_ =	shalt  }
0x5d: {  	_ =	shalt  }
0x5e: {  	_ =	shalt  }
0x5f: {  	_ =	shalt  }
0x60: {  	_ =	shalt  }
0x61: {  	_ =	shalt  }
0x62: {  	_ =	shalt  }
0x63: {  	_ =	shalt  }
0x64: {  	_ =	shalt  }
0x65: {  	_ =	shalt  }
0x66: {  	_ =	shalt  }
0x67: {  	_ =	shalt  }
0x68: {  	_ =	shalt  }
0x69: {  	_ =	shalt  }
0x6a: {  	_ =	shalt  }
0x6b: {  	_ =	shalt  }
0x6c: {  	_ =	shalt  }
0x6d: {  	_ =	shalt  }
0x6e: {  	_ =	shalt  }
0x6f: {  	_ =	shalt  }
0x70: {  	_ =	shalt  }
0x71: {  	_ =	shalt  }
0x72: {  	_ =	shalt  }
0x73: {  	_ =	shalt  }
0x74: {  	_ =	shalt  }
0x75: {  	_ =	shalt  }
0x76: {  	_ =	shalt  }
0x77: {  	_ =	shalt  }
0x78: {  	_ =	shalt  }
0x79: {  	_ =	shalt  }
0x7a: {  	_ =	shalt  }
0x7b: {  	_ =	shalt  }
0x7c: {  	_ =	shalt  }
0x7d: {  	_ =	shalt  }
0x7e: {  	_ =	shalt  }
0x7f: {  	_ =	shalt  }
0x80: {  	_ =	shalt  }
0x81: {  	_ =	shalt  }
0x82: {  	_ =	shalt  }
0x83: {  	_ =	shalt  }
0x84: {  	_ =	shalt  }
0x85: {  	_ =	shalt  }
0x86: {  	_ =	shalt  }
0x87: {  	_ =	shalt  }
.Lfunc_end0:
.L_simem_size_0:
called_computation_lowered:
.L_overlay_start_0:
0x88: {  	s2 =	sld [smem:$0x3FD9]  }
0x89: {  	s3 =	sld [smem:$0x3FFE];
	_ =	sdelay $0x1  }
0x8a: {  	s1 =	srdreg.scid  }
0x8b: {  	s0 =	sand.u32 $0x1, s1  }
0x8c: {  	s15 =	sshll.u32 s0, $0xA;
	s2 =	sadd.s32 s3, s2  }
0x8d: {  	s2 =	sadd.s32 s2, s15  }
0x8e: {  	[smem:$0x3FC3] =	sst s2  }
0x8f: {  	_ = 	snop  }
0x90: {  	s2 =	sld [smem:$0x3FC9]  }
0x91: {  	s16 =	sld [smem:$0x3FC8]  }
0x92: {  	s4 =	sld [smem:$0x3FD0]  }
0x93: {  	s5 =	sld [smem:$0x3FC7]  }
0x94: {  	s6 =	sld [smem:$0x3FC6]  }
0x95: {  	s8 =	simm.s32 $0xA;
	s9 =	simm.s32 $0x10;
	s7 =	sld [smem:$0x3FC5]  }
0x96: {  	[smem:s9], [sflag:s8] =	dma.local [hbm:s4], $0x1  }
0x97: {  	_ =	swait.eq [sflag:s8], $0x1  }
0x98: {  	s17 =	sld [smem:$0x10]  }
0x99: {  	s18 =	sld [smem:$0x11];
	[sflag:s8] =	ssyncset.done $0x0  }
0x9a: {  	s10 =	sld [smem:$0x12];
	[sflag:s8] =	ssyncadd.s32 $0xFFFFFFFF  }
0x9b: {  	s19 =	sld [smem:$0x13];
	(tm) =	ssettm $0x1  }
0x9c: {  	s11 =	sld [smem:$0x3FFB];
	_ =	sdelay $0x3  }
0x9d: {  	_ =	strace s11  }
0x9e: {  	s11 =	sld [smem:$0x3FFC];
	_ =	sdelay $0x3  }
0x9f: {  	_ =	strace s11  }
0xa0: {  	s11 =	sld [smem:$0x3FFD];
	_ =	sdelay $0x3  }
0xa1: {  	_ =	strace s11  }
0xa2: {  	_ =	strace $0x8FFFFFFF  }
0xa3: {  	s20 =	sld [smem:$0x3FDB];
	_ =	sdelay $0x1  }
0xa4: {  	s12 =	simm.s32 $_scs_section_size  }
0xa5: {  	s13 =	simm.s32 $_size__tile_overlayer_lowered;
	s14 =	simm.s32 $_tile_overlayer_lowered  }
0xa6: {  	s23 =	simm.s32 $0x1BFF;
	s22 =	sshll.u32 s14, $0x1;
	s11 =	sadd.s32 s12, s20  }
0xa7: {  	s21 =	sshll.u32 s13, $0x1;
	s15 =	simm.s32 $0x0;
	s13 =	sadd.s32 s22, s11  }
0xa8: {  	[timem:s15], [sflag:s23] =	dma.local [hbm:s13], s21  }
0xa9: {  	_ =	swait.ge [sflag:s23], s21  }
0xaa: {  	s12 =	ssub.s32 $0x0, s21;
	[sflag:s23] =	ssyncset.done $0x0  }
0xab: {  	[sflag:s23] =	ssyncadd.s32 s12;
	_ =	sdelay $0x1  }
0xac: {  	s24 =	simm.s32 $0x1B8B  }
0xad: {  	_ =	swait.ge [sflag:s24], $0x1  }
0xae: {  	[sflag:s24] =	ssyncset.done $0x0  }
0xaf: {  	s25 =	simm.s32 $0x1B8E;
	[sflag:s24] =	ssyncadd.s32 $0xFFFFFFFF  }
0xb0: {  	s26 =	simm.s32 $execute0_lowered;
	[smem:$0x3FD2] =	sst s25  }
0xb1: {  	s12 =	sshll.u32 s26, $0x1;
	_ =	strace $0x80000046;
	[dreg:$0x1] =	wrdreg $0xFFFFFFFF  }
0xb2: {  	s28 =	simm.s32 $_size_execute0_lowered;
	s11 =	sadd.s32 s11, s12;
	[dreg:$0x0] =	wrdreg $0x0  }
0xb3: {  	s12 =	sshll.u32 s28, $0x1;
	[dreg:$0x2] =	wrdreg s11  }
0xb4: {  	[dreg:$0x3] =	wrdreg s12  }
0xb5: {  	[dreg:$0x4] =	wrdreg $0xC0  }
0xb6: {  	_ =	task [dreg:s15], $0x5FFFF  }
0xb7: {  	[dreg:$0x1] =	wrdreg $0xFFFFFFFF  }
0xb8: {  	[dreg:$0x0] =	wrdreg $0x60  }
0xb9: {  	[dreg:$0x2] =	wrdreg s16  }
0xba: {  	[dreg:$0x3] =	wrdreg s5  }
0xbb: {  	[dreg:$0x4] =	wrdreg s6  }
0xbc: {  	[dreg:$0x5] =	wrdreg s7  }
0xbd: {  	[dreg:$0x6] =	wrdreg s2  }
0xbe: {  	[dreg:$0x7] =	wrdreg s17  }
0xbf: {  	[dreg:$0x8] =	wrdreg s18  }
0xc0: {  	[dreg:$0x9] =	wrdreg s10  }
0xc1: {  	[dreg:$0xa] =	wrdreg s19  }
0xc2: {  	[dreg:$0xb] =	wrdreg $0x9  }
0xc3: {  	_ =	task.clear_ibuf [dreg:s15], $0xCFFFF;
	_ =	strace $0x90000046  }
0xc4: {  	s29 =	simm.s32 $0x9;
	_ =	strace $0x80000048  }
0xc5: {  	_ =	swait.ge [sflag:s29], $0x1  }
0xc6: {  	[sflag:s29] =	ssyncadd.s32 $0xFFFFFFFF  }
0xc7: {  	_ =	strace $0x90000048  }
0xc8: {  	_ =	sfence  }
0xc9: {  	s30 =	sld [smem:$0x0];
	_ =	sdelay $0x2  }
0xca: {  	s31 =	sshll.u32 s1, $0xD;
	s1 =	sshrl.u32 s1, $0x2  }
0xcb: {  	s3 =	sand.u32 $0x4000, s31;
	s1 =	sadd.s32 s1, s30  }
0xcc: {  	s0 =	sor.u32 s3, s0;
	s1 =	sshll.u32 s1, $0x11  }
0xcd: {  	s0 =	sor.u32 s1, s0  }
0xce: {  	s0 =	sadd.s32 $0x8F2B, s0  }
0xcf: {  	[sflag:s0] =	ssyncadd.remote.s32 $0x1  }
0xd0: {  	_ =	sfence.sel $0xFFFF  }
0xd1: {  	[dreg:$0x0] =	wrdreg $0xFFFFFFFF;
	(pc) =	sbr.abs _section_cstart, $3  }
0xd2: {  	[dreg:$0x1] =	wrdreg $0xFFFFFFFF  }
0xd3: {  	_ =	task.clear_ibuf [dreg:s15], $0x2FFFF;
	_ =	strace $0x9FFFFFFF  }
0xd4: {  	(tm) =	ssettm $0x7FFFFFFF  }
0xd5: {  	_ =	shalt  }
tec
execute0_lowered:
.L_overlay_start_1:
0x0: {  	(tag) =	ssettag $0x1  }
0x1: {  	s4 =	rddreg [dreg:$0x0]  }
0x2: {  	s6 =	rddreg [dreg:$0x1]  }
0x3: {  	s12 =	rddreg [dreg:$0x2]  }
0x4: {  	s14 =	rddreg [dreg:$0x3]  }
0x5: {  	s0 =	rddreg [dreg:$0x4]  }
0x6: {  	s5 =	rddreg [dreg:$0x5]  }
0x7: {  	s7 =	rddreg [dreg:$0x6]  }
0x8: {  	s13 =	rddreg [dreg:$0x7]  }
0x9: {  	s2 =	srdreg.scid;
	s1 =	stileid.u32  }
0xa: {  	s15 =	rddreg [dreg:$0x8];
	s8 =	sand.u32 $0x1, s2;
	s3 =	sshll.u32 s1, $0x1  }
0xb: {  	s2 =	rddreg [dreg:$0x9];
	s9 =	sshrl.u32 s1, $0x2;
	p0 =	sgt.u32 s1, $0x4  }
0xc: {  	p2 =	sgt.u32 s1, $0x8;
	s24 =	sor.u32 s8, s3;
	s3 =	simm.s32 $0x0  }
0xd: {  	s11 =	smul.u32 $0xC3800, s9;
	s8 =	ssub.s32 $0x2, s8;
	s9 =	sshll.u32 s9, $0xF  }
0xe: {  	s10 =	sshll.u32 s24, $0x7;
	[smem:$0x7FF] =	sst s3;
	s16 =	sshrl.u32 s8, $0x1  }
0xf: {  	s22 =	sadd.s32 $0xFFFFFFF6, s24;
	s21 =	sadd.s32 $0x13, s24;
	s26 =	sadd.s32 $0x33, s24  }
0x10: {  	p4 =	slt.u32 s24, $0xD;
	s10 =	sand.u32 $0x380, s10;
	_ =	strace $0x80000047  }
0x11: {  	s16 =	ssub.s32 s8, s16;
	s17 =	sshll.u32 s22, $0x4;
	s28 =	sshrl.u32 s26, $0x3  }
0x12: {  	p1 =	sgt.u32 s22, $0x2;
	s22 =	simm.s32 $0x200;
	s11 =	sor.u32 s11, s10  }
0x13: {  	s10 =	sor.u32 s9, s10;
	s6 =	sadd.s32 s6, s17;
	s7 =	sadd.s32 s7, s17  }
0x14: {  	s17 =	sshrl.u32 s21, $0x3;
	s29 =	smul.u32 $0xC3800, s28;
	s16 =	smax.u32 s16, $0x1  }
0x15: {  	s11 =	sshrl.u32 s11, $0x3;
	s8 =	sshrl.u32 s10, $0x3;
	s23 =	smul.u32 $0xC3800, s17  }
0x16: {  	s25 =	sshll.u32 s17, $0xF;
	s4 =	sadd.s32 s4, s11;
	s11 =	sadd.s32 $0xFFFFFFF3, s24  }
0x17: {  	s17 =	sshll.u32 s26, $0x7;
	s5 =	sadd.s32 s5, s8;
	s18 =	sshrl.u32 s11, $0x3  }
0x18: {  	s17 =	sand.u32 $0x380, s17;
	s9 =	sshll.u32 s11, $0x7;
	s19 =	smul.u32 $0xC3800, s18  }
0x19: {  	s20 =	sand.u32 $0x380, s9;
	s10 =	sshll.u32 s18, $0xF;
	s9 =	sshll.u32 s21, $0x7  }
0x1a: {  	s21 =	simm.s32 $0x19780;
	s8 =	sor.u32 s20, s10;
	s11 =	sor.u32 s20, s19  }
0x1b: {  	s18 =	sshrl.u32 s8, $0x3;
	s19 =	sand.u32 $0x380, s9;
	s20 =	simm.s32 $0x400  }
0x1c: {  	s11 =	sshrl.u32 s11, $0x3;
	s9 =	sadd.s32 s13, s18;
	s10 =	sor.u32 s19, s23  }
0x1d: {  	s18 =	sshll.u32 s28, $0xF;
	s23 =	simm.s32 $0x1000;
	s8 =	sadd.s32 s12, s11  }
0x1e: {  	s10 =	sshrl.u32 s10, $0x3;
	s11 =	sor.u32 s19, s25;
	s19 =	sor.u32 s17, s29  }
0x1f: {  	s17 =	sor.u32 s17, s18;
	s25 =	sadd.s32 $0xFFFFFFEE, s24;
	s18 =	simm.s32 $0x19700  }
.Ltmp0:
0x20: {  	s24 =	simm.s32 $0x0;
	s10 =	sadd.s32 s12, s10;
	(pc) =	sbr.rel .LBB2_1-.Ltmp0, $4  }
0x21: {  	s11 =	sshrl.u32 s11, $0x3;
	s30 =	sshrl.u32 s19, $0x3;
	s17 =	sshrl.u32 s17, $0x3  }
0x22: {  	s31 =	sshll.u32 s25, $0x4;
	s19 =	simm.s32 $0x80;
	p3 =	sgt.u32 s25, $0x2  }
0x23: {  	s11 =	sadd.s32 s13, s11;
	s12 =	sadd.s32 s12, s30;
	s13 =	sadd.s32 s13, s17  }
0x24: {  	s14 =	sadd.s32 s14, s31;
	s15 =	sadd.s32 s15, s31;
	s17 =	simm.s32 $0x1  }
.LBB2_23:
0x25: {  	v1 =	vld [tilespmem:s26+$0x0];
	_ =	sdelay $0x6  }
0x26: {  	[tilespmem:s25+$0x19780] =	vst v0  }
0x27: {  	v0 =	vld.idx.msk [tilespmem:v1+s23+$0x0], $0xffff;
	_ =	sdelay $0x4  }
0x28: {  	[tilespmem:s26+$0x19780] =	vst v0  }
0x29: {  	[hbm4b:s15+s19] =	stream.strided.scatter [tilespmem:s21], [sflag:$0x1], $0x1000, s22, s19, $0x38;
	[tilespmem:$0x1A780] =	vst v63  }
0x2a: {  	_ =	swait.ge [sflag:s17], $0x1000  }
0x2b: {  	[sflag:s17] =	ssyncset.done $0x0  }
0x2c: {  	[sflag:s17] =	ssyncadd.s32 $0xFFFFF000  }
.LBB2_24:
0x2d: {  	s24 =	sadd.s32 $0x1, s24  }
0x2e: {  	p5 =	sne.s32 s24, s16  }
.Ltmp1:
0x2f: {  	_ = 	snop;
	(pc) =	sbr.rel @!p5 .LBB2_25-.Ltmp1, $1  }
0x30: {  	_ =	sdelay $0x3  }
.LBB2_1:
.Ltmp2:
0x31: {  	(pc) =	sbr.rel @p0 .LBB2_5-.Ltmp2, $4  }
0x32: {  	[tilespmem:s3], [sflag:$0x1] =	stream.linear.gather [hbm4b:s0+s3], $0x1000, $0x38;
	[tilespmem:$0x1A780] =	vst v63  }
0x33: {  	_ =	swait.ge [sflag:s17], $0x1000  }
0x34: {  	[sflag:s17] =	ssyncset.done $0x0  }
0x35: {  	[sflag:s17] =	ssyncadd.s32 $0xFFFFF000  }
0x36: {  	s25 =	simm.s32 $0x0  }
0x37: {  	[tilespmem:s18], [sflag:$0x1] =	stream.linear.gather [hbm4b:s4+s25], $0x80, $0x38;
	[tilespmem:$0x1A780] =	vst v63  }
0x38: {  	_ =	swait.ge [sflag:s17], $0x80  }
0x39: {  	[sflag:s17] =	ssyncset.done $0x0  }
0x3a: {  	[sflag:s17] =	ssyncadd.s32 $0xFFFFFF80  }
0x3b: {  	v0 =	vld [tilespmem:$0x0];
	_ =	sdelay $0x4  }
0x3c: {  	v1 =	vshra.s32 v0, $0x1F  }
0x3d: {  	v0 =	vand.u32 v1, v0  }
0x3e: {  	v1 =	vand.u32 $0xFFFFFF80, v0;
	v2 =	vshll.u32 v0, $0x7  }
0x3f: {  	v0 =	vand.u32 $0x7F, v0;
	v1 =	vadd.s32 v1, v2  }
0x40: {  	v0 =	vor.u32 v0, v1;
	_ =	sdelay $0x4  }
0x41: {  	v0 =	vld.idx.msk [tilespmem:v0+s18+$0x0], $0xffff;
	_ =	sdelay $0x3  }
0x42: {  	s26 =	simm.s32 $0x0;
	s25 =	simm.s32 $0x40  }
.LBB2_3:
0x43: {  	p5 =	sne.s32 s25, $0x3FC0;
	[tilespmem:s26+$0x19780] =	vst v0;
	s26 =	smov.u32 s25;
	s25 =	sadd.s32 $0x40, s25  }
.Ltmp3:
0x44: {  	(pc) =	sbr.rel @p5 .LBB2_3-.Ltmp3, $2  }
0x45: {  	_ =	sdelay $0x2  }
0x46: {  	s26 =	sshra.s32 s26, $0x2  }
0x47: {  	[tilespmem:s26+$0x19780] =	vst v0  }
0x48: {  	[hbm4b:s5+s19] =	stream.strided.scatter [tilespmem:s21], [sflag:$0x1], $0x1000, s20, s19, $0x38;
	[tilespmem:$0x1A780] =	vst v63  }
0x49: {  	_ =	swait.ge [sflag:s17], $0x1000  }
0x4a: {  	[sflag:s17] =	ssyncset.done $0x0  }
0x4b: {  	[sflag:s17] =	ssyncadd.s32 $0xFFFFF000  }
.LBB2_5:
.Ltmp4:
0x4c: {  	(pc) =	sbr.rel @p1 .LBB2_9-.Ltmp4, $1  }
0x4d: {  	_ =	sdelay $0x3  }
0x4e: {  	[tilespmem:s23], [sflag:$0x1] =	stream.strided.gather [hbm4b:s6+s19], $0x18700, s22, s19, $0x38;
	[tilespmem:$0x1A780] =	vst v63  }
0x4f: {  	_ =	swait.ge [sflag:s17], $0x18700  }
0x50: {  	[sflag:s17] =	ssyncset.done $0x0  }
0x51: {  	s25 =	simm.s32 $0x0;
	[sflag:s17] =	ssyncadd.s32 $0xFFFE7900  }
0x52: {  	v0 =	vld [tilespmem:s25+$0x0];
	_ =	sdelay $0x7  }
0x53: {  	s26 =	simm.s32 $0x10;
	s28 =	simm.s32 $0x80;
	v0 =	vld.idx.msk [tilespmem:v0+s23+$0x0], $0xffff  }
.LBB2_7:
0x54: {  	p5 =	sne.s32 s28, $0x3FC0;
	v1 =	vld [tilespmem:s26+$0x0];
	_ =	sdelay $0x3  }
.Ltmp5:
0x55: {  	(pc) =	sbr.rel @p5 .LBB2_7-.Ltmp5, $2  }
0x56: {  	[tilespmem:s25+$0x19780] =	vst v0;
	s25 =	smov.u32 s26;
	_ =	sdelay $0x2  }
0x57: {  	s26 =	sshra.s32 s28, $0x2;
	s28 =	sadd.s32 $0x40, s28;
	v0 =	vld.idx.msk [tilespmem:v1+s23+$0x0], $0xffff  }
0x58: {  	v1 =	vld [tilespmem:s26+$0x0];
	_ =	sdelay $0x6  }
0x59: {  	[tilespmem:s25+$0x19780] =	vst v0  }
0x5a: {  	v0 =	vld.idx.msk [tilespmem:v1+s23+$0x0], $0xffff;
	_ =	sdelay $0x1  }
.Ltmp6:
0x5b: {  	_ = 	snop;
	(pc) =	sbr.rel .LBB2_13-.Ltmp6, $3  }
0x5c: {  	_ =	sdelay $0x1  }
0x5d: {  	[tilespmem:s26+$0x19780] =	vst v0  }
0x5e: {  	[hbm4b:s7+s19] =	stream.strided.scatter [tilespmem:s21], [sflag:$0x1], $0x1000, s22, s19, $0x38;
	[tilespmem:$0x1A780] =	vst v63  }
.LBB2_9:
.Ltmp7:
0x5f: {  	(pc) =	sbr.rel @p4 .LBB2_14-.Ltmp7, $1  }
0x60: {  	_ =	sdelay $0x3  }
0x61: {  	[tilespmem:s23], [sflag:$0x1] =	stream.strided.gather [hbm4b:s8+s19], $0x18700, s20, s19, $0x38;
	[tilespmem:$0x1A780] =	vst v63  }
0x62: {  	_ =	swait.ge [sflag:s17], $0x18700  }
0x63: {  	[sflag:s17] =	ssyncset.done $0x0  }
0x64: {  	s25 =	simm.s32 $0x0;
	[sflag:s17] =	ssyncadd.s32 $0xFFFE7900  }
0x65: {  	v0 =	vld [tilespmem:s25+$0x0];
	_ =	sdelay $0x7  }
0x66: {  	s26 =	simm.s32 $0x10;
	s28 =	simm.s32 $0x80;
	v0 =	vld.idx.msk [tilespmem:v0+s23+$0x0], $0xffff  }
.LBB2_11:
0x67: {  	p5 =	sne.s32 s28, $0x3FC0;
	v1 =	vld [tilespmem:s26+$0x0];
	_ =	sdelay $0x3  }
.Ltmp8:
0x68: {  	(pc) =	sbr.rel @p5 .LBB2_11-.Ltmp8, $2  }
0x69: {  	[tilespmem:s25+$0x19780] =	vst v0;
	s25 =	smov.u32 s26;
	_ =	sdelay $0x2  }
0x6a: {  	s26 =	sshra.s32 s28, $0x2;
	s28 =	sadd.s32 $0x40, s28;
	v0 =	vld.idx.msk [tilespmem:v1+s23+$0x0], $0xffff  }
0x6b: {  	v1 =	vld [tilespmem:s26+$0x0];
	_ =	sdelay $0x6  }
0x6c: {  	[tilespmem:s25+$0x19780] =	vst v0  }
0x6d: {  	v0 =	vld.idx.msk [tilespmem:v1+s23+$0x0], $0xffff;
	_ =	sdelay $0x4  }
0x6e: {  	[tilespmem:s26+$0x19780] =	vst v0  }
0x6f: {  	[hbm4b:s9+s19] =	stream.strided.scatter [tilespmem:s21], [sflag:$0x1], $0x1000, s20, s19, $0x38;
	[tilespmem:$0x1A780] =	vst v63  }
.LBB2_13:
0x70: {  	_ =	swait.ge [sflag:s17], $0x1000  }
0x71: {  	[sflag:s17] =	ssyncset.done $0x0  }
0x72: {  	[sflag:s17] =	ssyncadd.s32 $0xFFFFF000  }
.LBB2_14:
0x73: {  	[tilespmem:s23], [sflag:$0x1] =	stream.strided.gather [hbm4b:s10+s19], $0x18700, s20, s19, $0x38;
	[tilespmem:$0x1A780] =	vst v63  }
0x74: {  	_ =	swait.ge [sflag:s17], $0x18700  }
0x75: {  	[sflag:s17] =	ssyncset.done $0x0  }
0x76: {  	s25 =	simm.s32 $0x0;
	[sflag:s17] =	ssyncadd.s32 $0xFFFE7900  }
0x77: {  	v0 =	vld [tilespmem:s25+$0x0];
	_ =	sdelay $0x7  }
0x78: {  	s26 =	simm.s32 $0x10;
	s28 =	simm.s32 $0x80;
	v0 =	vld.idx.msk [tilespmem:v0+s23+$0x0], $0xffff  }
.LBB2_15:
0x79: {  	p5 =	sne.s32 s28, $0x3FC0;
	v1 =	vld [tilespmem:s26+$0x0];
	_ =	sdelay $0x3  }
.Ltmp9:
0x7a: {  	(pc) =	sbr.rel @p5 .LBB2_15-.Ltmp9, $2  }
0x7b: {  	[tilespmem:s25+$0x19780] =	vst v0;
	s25 =	smov.u32 s26;
	_ =	sdelay $0x2  }
0x7c: {  	s26 =	sshra.s32 s28, $0x2;
	s28 =	sadd.s32 $0x40, s28;
	v0 =	vld.idx.msk [tilespmem:v1+s23+$0x0], $0xffff  }
0x7d: {  	v1 =	vld [tilespmem:s26+$0x0];
	_ =	sdelay $0x6  }
0x7e: {  	[tilespmem:s25+$0x19780] =	vst v0  }
0x7f: {  	v0 =	vld.idx.msk [tilespmem:v1+s23+$0x0], $0xffff;
	_ =	sdelay $0x4  }
.Ltmp10:
0x80: {  	[tilespmem:s26+$0x19780] =	vst v0;
	(pc) =	sbr.rel @p2 .LBB2_20-.Ltmp10, $4  }
0x81: {  	[hbm4b:s11+s19] =	stream.strided.scatter [tilespmem:s21], [sflag:$0x1], $0x1000, s20, s19, $0x38;
	[tilespmem:$0x1A780] =	vst v63  }
0x82: {  	_ =	swait.ge [sflag:s17], $0x1000  }
0x83: {  	[sflag:s17] =	ssyncset.done $0x0  }
0x84: {  	[sflag:s17] =	ssyncadd.s32 $0xFFFFF000  }
0x85: {  	[tilespmem:s23], [sflag:$0x1] =	stream.strided.gather [hbm4b:s12+s19], $0x18700, s20, s19, $0x38;
	[tilespmem:$0x1A780] =	vst v63  }
0x86: {  	_ =	swait.ge [sflag:s17], $0x18700  }
0x87: {  	[sflag:s17] =	ssyncset.done $0x0  }
0x88: {  	s25 =	simm.s32 $0x0;
	[sflag:s17] =	ssyncadd.s32 $0xFFFE7900  }
0x89: {  	v0 =	vld [tilespmem:s25+$0x0];
	_ =	sdelay $0x7  }
0x8a: {  	s26 =	simm.s32 $0x10;
	s28 =	simm.s32 $0x80;
	v0 =	vld.idx.msk [tilespmem:v0+s23+$0x0], $0xffff  }
.LBB2_18:
0x8b: {  	p5 =	sne.s32 s28, $0x3FC0;
	v1 =	vld [tilespmem:s26+$0x0];
	_ =	sdelay $0x3  }
.Ltmp11:
0x8c: {  	(pc) =	sbr.rel @p5 .LBB2_18-.Ltmp11, $2  }
0x8d: {  	[tilespmem:s25+$0x19780] =	vst v0;
	s25 =	smov.u32 s26;
	_ =	sdelay $0x2  }
0x8e: {  	s26 =	sshra.s32 s28, $0x2;
	s28 =	sadd.s32 $0x40, s28;
	v0 =	vld.idx.msk [tilespmem:v1+s23+$0x0], $0xffff  }
0x8f: {  	v1 =	vld [tilespmem:s26+$0x0];
	_ =	sdelay $0x6  }
0x90: {  	[tilespmem:s25+$0x19780] =	vst v0  }
0x91: {  	v0 =	vld.idx.msk [tilespmem:v1+s23+$0x0], $0xffff;
	_ =	sdelay $0x4  }
0x92: {  	[tilespmem:s26+$0x19780] =	vst v0  }
0x93: {  	[hbm4b:s13+s19] =	stream.strided.scatter [tilespmem:s21], [sflag:$0x1], $0x1000, s20, s19, $0x38;
	[tilespmem:$0x1A780] =	vst v63  }
0x94: {  	_ =	swait.ge [sflag:s17], $0x1000  }
0x95: {  	[sflag:s17] =	ssyncset.done $0x0  }
0x96: {  	[sflag:s17] =	ssyncadd.s32 $0xFFFFF000  }
.LBB2_20:
.Ltmp12:
0x97: {  	(pc) =	sbr.rel @p3 .LBB2_24-.Ltmp12, $1  }
0x98: {  	_ =	sdelay $0x3  }
0x99: {  	[tilespmem:s23], [sflag:$0x1] =	stream.strided.gather [hbm4b:s14+s19], $0x18700, s22, s19, $0x38;
	[tilespmem:$0x1A780] =	vst v63  }
0x9a: {  	_ =	swait.ge [sflag:s17], $0x18700  }
0x9b: {  	[sflag:s17] =	ssyncset.done $0x0  }
0x9c: {  	s25 =	simm.s32 $0x0;
	[sflag:s17] =	ssyncadd.s32 $0xFFFE7900  }
0x9d: {  	v0 =	vld [tilespmem:s25+$0x0];
	_ =	sdelay $0x7  }
0x9e: {  	s26 =	simm.s32 $0x10;
	s28 =	simm.s32 $0x80;
	v0 =	vld.idx.msk [tilespmem:v0+s23+$0x0], $0xffff  }
.LBB2_22:
0x9f: {  	p5 =	sne.s32 s28, $0x3FC0;
	v1 =	vld [tilespmem:s26+$0x0];
	_ =	sdelay $0x3  }
.Ltmp13:
0xa0: {  	(pc) =	sbr.rel @p5 .LBB2_22-.Ltmp13, $2  }
0xa1: {  	[tilespmem:s25+$0x19780] =	vst v0;
	s25 =	smov.u32 s26;
	_ =	sdelay $0x2  }
0xa2: {  	s26 =	sshra.s32 s28, $0x2;
	s28 =	sadd.s32 $0x40, s28;
	v0 =	vld.idx.msk [tilespmem:v1+s23+$0x0], $0xffff  }
.Ltmp14:
0xa3: {  	_ = 	snop;
	(pc) =	sbr.rel .LBB2_23-.Ltmp14, $1  }
0xa4: {  	_ =	sdelay $0x3  }
.LBB2_25:
0xa5: {  	_ =	sfence.sel $0x180000  }
0xa6: {  	[bflag:$0x0] =	sbarrier.arrive $0xFFFF  }
0xa7: {  	p0 =	sne.s32 s1, $0x0;
	_ =	strace $0x90000047  }
0xa8: {  	s0 =	sadd.s32 @!p0 $0x100000, s2;
	[bflag:$0x2] =	sbarrier.arrive $0xFFFF  }
0xa9: {  	[sflag:s0] =	ssyncadd.tile.s32 @!p0 $0x1;
	_ =	shalt  }
.Lfunc_end2:
_tile_overlayer_lowered:
.L_overlay_start_2:
0xaa: {  	(tag) =	ssettag $0x2  }
0xab: {  	s0 =	rddreg [dreg:$0x0];
	s2 =	stileid.u32  }
0xac: {  	s1 =	rddreg [dreg:$0x1];
	p0 =	sne.s32 s2, $0x0  }
0xad: {  	s3 =	rddreg [dreg:$0x2];
	[bflag:$0x3] =	sbarrier.arrive $0xFFFF;
	s2 =	simm.s32 @!p0 $0x1C01  }
0xae: {  	[timem:s3], [sflag:s2] =	dma.local @!p0 [hbm:s0], s1  }
0xaf: {  	s0 =	simm.s32 @!p0 $0x1  }
0xb0: {  	_ =	swait.ge @!p0 [sflag:s0], s1  }
0xb1: {  	s1 =	ssub.s32 @!p0 $0x0, s1;
	[sflag:s0] =	ssyncset.done @!p0 $0x0  }
0xb2: {  	[sflag:s0] =	ssyncadd.s32 @!p0 s1  }
0xb3: {  	[bflag:$0x3] =	sbarrier.arrive $0xFFFF  }
0xb4: {  	_ =	shalt  }

</sc_bundles>
